<compile_context>
chip_gen: v7x
topology: tpu7x:2x2x1
jax: 0.10.2.dev20260603
libtpu: 0.0.44.dev20260713+nightly
codegen_flags: <defaults>
</compile_context>

<pallas_src>
import functools

import jax
import jax.numpy as jnp
from jax import lax
from jax.experimental import pallas as pl
from jax.experimental.pallas import tpu as pltpu
from jax.experimental.pallas import tpu_sc as plsc

B, L, D = 8, 1024, 32
K = 8192
NUM_Q = 8
N = B * L

T = 512
NB = 8
KB = K // NB
CDIM = NB * D

CW = 512

NW = 32
BPW = N // NW


def _stage_kernel(r_ref, qp_ref, qacc_ref, cbt_ref, c2_ref,
                  idx_ref, rout_ref, qaccout_ref, bd_ref):
    @pl.when(pl.program_id(0) == 0)
    def _():
        bd_ref[...] = jnp.zeros((CDIM, K), jnp.float32)
        for b in range(NB):
            bd_ref[D * b:D * (b + 1), KB * b:KB * (b + 1)] = \
                cbt_ref[:, KB * b:KB * (b + 1)]

    qp = qp_ref[...]
    r = r_ref[...] - qp
    rout_ref[...] = r
    qaccout_ref[...] = qacc_ref[...] + qp
    a2 = jnp.sum(r * r, axis=1, keepdims=True)
    r2 = r + r
    rrep = jnp.concatenate([r2] * NB, axis=1)
    dot2 = lax.dot_general(rrep, bd_ref[...], (((1,), (0,)), ((), ())),
                           preferred_element_type=jnp.float32)
    d2 = (a2 + c2_ref[...]) - dot2
    dist = jnp.sqrt(jnp.maximum(d2, 0.0))
    am = jnp.argmin(dist, axis=1, keepdims=True).astype(jnp.int32)
    idx_ref[...] = am


def _tc_stage(r, qp, qacc, cbt_q, c2_q):
    return pl.pallas_call(
        _stage_kernel,
        grid=(N // T,),
        in_specs=[
            pl.BlockSpec((T, D), lambda i: (i, 0)),
            pl.BlockSpec((T, D), lambda i: (i, 0)),
            pl.BlockSpec((T, D), lambda i: (i, 0)),
            pl.BlockSpec((D, K), lambda i: (0, 0)),
            pl.BlockSpec((1, K), lambda i: (0, 0)),
        ],
        out_specs=[
            pl.BlockSpec((T, 1), lambda i: (i, 0)),
            pl.BlockSpec((T, D), lambda i: (i, 0)),
            pl.BlockSpec((T, D), lambda i: (i, 0)),
        ],
        out_shape=[
            jax.ShapeDtypeStruct((N, 1), jnp.int32),
            jax.ShapeDtypeStruct((N, D), jnp.float32),
            jax.ShapeDtypeStruct((N, D), jnp.float32),
        ],
        scratch_shapes=[pltpu.VMEM((CDIM, K), jnp.float32)],
    )(r, qp, qacc, cbt_q, c2_q)


_SC_MESH = plsc.VectorSubcoreMesh(core_axis_name="c", subcore_axis_name="s")
DPAD = 128


@functools.partial(
    pl.kernel, mesh=_SC_MESH,
    out_type=jax.ShapeDtypeStruct((N, DPAD), jnp.float32),
    scratch_types=[
        pltpu.VMEM((BPW,), jnp.int32),
        pltpu.VMEM((BPW, DPAD), jnp.float32),
        pltpu.SemaphoreType.DMA,
    ],
)
def _sc_gather(table_hbm, idx_hbm, out_hbm, idx_v, rows_v, sem):
    wid = lax.axis_index("s") * 2 + lax.axis_index("c")
    base = wid * BPW
    pltpu.sync_copy(idx_hbm.at[pl.ds(base, BPW)], idx_v)
    pltpu.async_copy(table_hbm.at[idx_v], rows_v, sem).wait()
    pltpu.sync_copy(rows_v, out_hbm.at[pl.ds(base, BPW)])


def _final_add_kernel(a_ref, b_ref, o_ref):
    o_ref[...] = a_ref[...] + b_ref[...]


def kernel(x, codebooks):
    xf = x.reshape(N, D)
    cbt = codebooks.transpose(0, 2, 1)
    c2 = jnp.sum(codebooks * codebooks, axis=-1)[:, None, :]
    cb_pad = jnp.pad(codebooks, ((0, 0), (0, 0), (0, DPAD - D)))
    zeros = jnp.zeros((N, D), jnp.float32)

    r, qp, qacc = xf, zeros, zeros
    idx_cols = []
    for q in range(NUM_Q):
        idx_q, r, qacc = _tc_stage(r, qp, qacc, cbt[q], c2[q])
        qp = _sc_gather(cb_pad[q], idx_q.reshape(N))[:, :D]
        idx_cols.append(idx_q)

    quantized = pl.pallas_call(
        _final_add_kernel,
        out_shape=jax.ShapeDtypeStruct((N, D), jnp.float32),
    )(qacc, qp)

    indices = jnp.concatenate(idx_cols, axis=1)
    indices = indices.reshape(B, L, NUM_Q).transpose(0, 2, 1)
    return (indices, quantized.reshape(B, L, D))

# --- scband reference (transcript-rebuilt; emitter-appended) ---
"""Pipeline reference for scband-residual-vector-quantizer-23167053595189 (READ-ONLY COPY).

The authoritative reference and input builder live on the scoring server;
editing this copy changes nothing except your own understanding.
"""

import jax, jax.numpy as jnp
import numpy as np

B, L, D = 8, 1024, 32
K = 8192
NUM_Q = 8


def setup_inputs(seed: int = 0) -> dict:
    key = jax.random.key(seed)
    k1, k2 = jax.random.split(key)
    x = jax.random.normal(k1, (B, L, D), dtype=jnp.float32)
    codebooks = jax.random.normal(k2, (NUM_Q, K, D), dtype=jnp.float32)
    return {"x": x, "codebooks": codebooks}


def _cdist(a, cb):
    # a: [B, L, D], cb: [K, D] -> Euclidean distances [B, L, K] (torch.cdist p=2)
    a2 = jnp.sum(a * a, axis=-1, keepdims=True)          # [B, L, 1]
    c2 = jnp.sum(cb * cb, axis=-1)                        # [K]
    d2 = a2 + c2[None, None, :] - 2.0 * jnp.einsum('bld,kd->blk', a, cb)
    return jnp.sqrt(jnp.maximum(d2, 0.0))


def reference(x, codebooks):
    quantized = jnp.zeros_like(x)
    residual = x
    indices_list = []
    for q in range(NUM_Q):
        cb = codebooks[q]
        dist = _cdist(residual, cb)
        idx = jnp.argmin(dist, axis=-1)                   # [B, L]
        quant = jnp.take(cb, idx, axis=0)                 # [B, L, D] gather
        indices_list.append(idx)
        quantized = quantized + quant
        residual = residual - quant
    indices = jnp.stack(indices_list, axis=1)             # [B, NUM_Q, L]
    return (indices, quantized)

if __name__ == "__main__":
    import jax
    _d = setup_inputs()
    print(jax.jit(kernel)(*tuple(_d.values())))

</pallas_src>

<mosaic_0001>
#map = affine_map<(d0, d1) -> (0, 0)>
#map1 = affine_map<(d0, d1) -> (0)>
module attributes {stable_mosaic.version = 14 : i64} {
  func.func @_sc_gather(%arg0: i32, %arg1: i32, %arg2: memref<8192x128xf32, #tpu.memory_space<hbm>>, %arg3: memref<8192xi32, #tpu.memory_space<hbm>>, %arg4: memref<8192x128xf32, #tpu.memory_space<hbm>>, %arg5: memref<256xi32, #tpu.memory_space<vmem>>, %arg6: memref<256x128xf32, #tpu.memory_space<vmem>>, %arg7: memref<!tpu.dma_semaphore, #tpu.memory_space<semaphore_mem>>) attributes {dimension_semantics = [#tpu.dimension_semantics<core_parallel>, #tpu.dimension_semantics<subcore_parallel>], iteration_bounds = array<i64: 2, 16>, scalar_prefetch = 0 : i64, scratch_operands = 3 : i64, tpu.core_type = #tpu.core_type<sc_vector_subcore>, window_params = [{transform_indices = #map}, {transform_indices = #map1}, {transform_indices = #map}]} {
    %mul3A = arith.constant 2 : i32
    %mul3A_0 = arith.muli %arg1, %mul3A : i32
    %add3A = arith.addi %mul3A_0, %arg0 : i32
    %mul3A_1 = arith.constant 256 : i32
    %mul3A_2 = arith.muli %add3A, %mul3A_1 : i32
    "tpu.region"() ({
      %run_scoped3A = tpu.sem_alloc : memref<!tpu.dma_semaphore, #tpu.memory_space<semaphore_mem>>
      %dma_start3A_7 = tpu.memref_slice %arg3[%mul3A_2] : memref<8192xi32, #tpu.memory_space<hbm>> -> memref<256xi32, #tpu.memory_space<hbm>>
      %dma_start3A_8 = tpu.memref_slice %arg3[%mul3A_2] : memref<8192xi32, #tpu.memory_space<hbm>> -> memref<256xi32, #tpu.memory_space<hbm>>
      tpu.enqueue_dma source(%dma_start3A_8 : memref<256xi32, #tpu.memory_space<hbm>>) target(%arg5 : memref<256xi32, #tpu.memory_space<vmem>>) target_semaphore(%run_scoped3A : memref<!tpu.dma_semaphore, #tpu.memory_space<semaphore_mem>>)
      %dma_wait3A_9 = tpu.memref_slice %arg3[%mul3A_2] : memref<8192xi32, #tpu.memory_space<hbm>> -> memref<256xi32, #tpu.memory_space<hbm>>
      %dma_wait3A_10 = tpu.memref_slice %arg3[%mul3A_2] : memref<8192xi32, #tpu.memory_space<hbm>> -> memref<256xi32, #tpu.memory_space<hbm>>
      tpu.wait_dma2 semaphore(%run_scoped3A : memref<!tpu.dma_semaphore, #tpu.memory_space<semaphore_mem>>) src(%dma_wait3A_10 : memref<256xi32, #tpu.memory_space<hbm>>) dst(%arg5 : memref<256xi32, #tpu.memory_space<vmem>>)
      tpu.yield
    }) : () -> ()
    %dma_start3A = arith.constant 0 : i32
    %dma_start3A_3 = arith.constant 0 : i32
    %dma_start3A_4 = tpu.memref_slice %arg2[%dma_start3A, %dma_start3A_3] : memref<8192x128xf32, #tpu.memory_space<hbm>> -> memref<8192x128xf32, #tpu.memory_space<hbm>>
    tpu.enqueue_indirect_dma source(%dma_start3A_4 : memref<8192x128xf32, #tpu.memory_space<hbm>>) target(%arg6 : memref<256x128xf32, #tpu.memory_space<vmem>>) offsets(%arg5 : memref<256xi32, #tpu.memory_space<vmem>>) semaphore(%arg7 : memref<!tpu.dma_semaphore, #tpu.memory_space<semaphore_mem>>)
    %dma_wait3A = arith.constant 0 : i32
    %dma_wait3A_5 = arith.constant 0 : i32
    %dma_wait3A_6 = tpu.memref_slice %arg2[%dma_wait3A, %dma_wait3A_5] : memref<8192x128xf32, #tpu.memory_space<hbm>> -> memref<8192x128xf32, #tpu.memory_space<hbm>>
    tpu.wait_indirect_dma semaphore(%arg7 : memref<!tpu.dma_semaphore, #tpu.memory_space<semaphore_mem>>) src(%dma_wait3A_6 : memref<8192x128xf32, #tpu.memory_space<hbm>>) dst(%arg6 : memref<256x128xf32, #tpu.memory_space<vmem>>)
    "tpu.region"() ({
      %run_scoped3A = tpu.sem_alloc : memref<!tpu.dma_semaphore, #tpu.memory_space<semaphore_mem>>
      %dma_start3A_7 = arith.constant 0 : i32
      %dma_start3A_8 = tpu.memref_slice %arg4[%mul3A_2, %dma_start3A_7] : memref<8192x128xf32, #tpu.memory_space<hbm>> -> memref<256x128xf32, #tpu.memory_space<hbm>>
      %dma_start3A_9 = arith.constant 0 : i32
      %dma_start3A_10 = tpu.memref_slice %arg4[%mul3A_2, %dma_start3A_9] : memref<8192x128xf32, #tpu.memory_space<hbm>> -> memref<256x128xf32, #tpu.memory_space<hbm>>
      tpu.enqueue_dma source(%arg6 : memref<256x128xf32, #tpu.memory_space<vmem>>) target(%dma_start3A_10 : memref<256x128xf32, #tpu.memory_space<hbm>>) target_semaphore(%run_scoped3A : memref<!tpu.dma_semaphore, #tpu.memory_space<semaphore_mem>>)
      %dma_wait3A_11 = arith.constant 0 : i32
      %dma_wait3A_12 = tpu.memref_slice %arg4[%mul3A_2, %dma_wait3A_11] : memref<8192x128xf32, #tpu.memory_space<hbm>> -> memref<256x128xf32, #tpu.memory_space<hbm>>
      %dma_wait3A_13 = arith.constant 0 : i32
      %dma_wait3A_14 = tpu.memref_slice %arg4[%mul3A_2, %dma_wait3A_13] : memref<8192x128xf32, #tpu.memory_space<hbm>> -> memref<256x128xf32, #tpu.memory_space<hbm>>
      tpu.wait_dma2 semaphore(%run_scoped3A : memref<!tpu.dma_semaphore, #tpu.memory_space<semaphore_mem>>) src(%arg6 : memref<256x128xf32, #tpu.memory_space<vmem>>) dst(%dma_wait3A_14 : memref<256x128xf32, #tpu.memory_space<hbm>>)
      tpu.yield
    }) : () -> ()
    return
  }
}

#map = affine_map<(d0, d1) -> (0, 0)>
#map1 = affine_map<(d0, d1) -> (0)>
module attributes {stable_mosaic.version = 14 : i64} {
  func.func @_sc_gather(%arg0: i32, %arg1: i32, %arg2: memref<8192x128xf32, #tpu.memory_space<hbm>>, %arg3: memref<8192xi32, #tpu.memory_space<hbm>>, %arg4: memref<8192x128xf32, #tpu.memory_space<hbm>>, %arg5: memref<256xi32, #tpu.memory_space<vmem>>, %arg6: memref<256x128xf32, #tpu.memory_space<vmem>>, %arg7: memref<!tpu.dma_semaphore, #tpu.memory_space<semaphore_mem>>) attributes {dimension_semantics = [#tpu.dimension_semantics<core_parallel>, #tpu.dimension_semantics<subcore_parallel>], iteration_bounds = array<i64: 2, 16>, scalar_prefetch = 0 : i64, scratch_operands = 3 : i64, tpu.core_type = #tpu.core_type<sc_vector_subcore>, window_params = [{transform_indices = #map}, {transform_indices = #map1}, {transform_indices = #map}]} {
    %mul3A = arith.constant 2 : i32
    %mul3A_0 = arith.muli %arg1, %mul3A : i32
    %add3A = arith.addi %mul3A_0, %arg0 : i32
    %mul3A_1 = arith.constant 256 : i32
    %mul3A_2 = arith.muli %add3A, %mul3A_1 : i32
    "tpu.region"() ({
      %run_scoped3A = tpu.sem_alloc : memref<!tpu.dma_semaphore, #tpu.memory_space<semaphore_mem>>
      %dma_start3A_7 = tpu.memref_slice %arg3[%mul3A_2] : memref<8192xi32, #tpu.memory_space<hbm>> -> memref<256xi32, #tpu.memory_space<hbm>>
      %dma_start3A_8 = tpu.memref_slice %arg3[%mul3A_2] : memref<8192xi32, #tpu.memory_space<hbm>> -> memref<256xi32, #tpu.memory_space<hbm>>
      tpu.enqueue_dma source(%dma_start3A_8 : memref<256xi32, #tpu.memory_space<hbm>>) target(%arg5 : memref<256xi32, #tpu.memory_space<vmem>>) target_semaphore(%run_scoped3A : memref<!tpu.dma_semaphore, #tpu.memory_space<semaphore_mem>>)
      %dma_wait3A_9 = tpu.memref_slice %arg3[%mul3A_2] : memref<8192xi32, #tpu.memory_space<hbm>> -> memref<256xi32, #tpu.memory_space<hbm>>
      %dma_wait3A_10 = tpu.memref_slice %arg3[%mul3A_2] : memref<8192xi32, #tpu.memory_space<hbm>> -> memref<256xi32, #tpu.memory_space<hbm>>
      tpu.wait_dma2 semaphore(%run_scoped3A : memref<!tpu.dma_semaphore, #tpu.memory_space<semaphore_mem>>) src(%dma_wait3A_10 : memref<256xi32, #tpu.memory_space<hbm>>) dst(%arg5 : memref<256xi32, #tpu.memory_space<vmem>>)
      tpu.yield
    }) : () -> ()
    %dma_start3A = arith.constant 0 : i32
    %dma_start3A_3 = arith.constant 0 : i32
    %dma_start3A_4 = tpu.memref_slice %arg2[%dma_start3A, %dma_start3A_3] : memref<8192x128xf32, #tpu.memory_space<hbm>> -> memref<8192x128xf32, #tpu.memory_space<hbm>>
    tpu.enqueue_indirect_dma source(%dma_start3A_4 : memref<8192x128xf32, #tpu.memory_space<hbm>>) target(%arg6 : memref<256x128xf32, #tpu.memory_space<vmem>>) offsets(%arg5 : memref<256xi32, #tpu.memory_space<vmem>>) semaphore(%arg7 : memref<!tpu.dma_semaphore, #tpu.memory_space<semaphore_mem>>)
    %dma_wait3A = arith.constant 0 : i32
    %dma_wait3A_5 = arith.constant 0 : i32
    %dma_wait3A_6 = tpu.memref_slice %arg2[%dma_wait3A, %dma_wait3A_5] : memref<8192x128xf32, #tpu.memory_space<hbm>> -> memref<8192x128xf32, #tpu.memory_space<hbm>>
    tpu.wait_indirect_dma semaphore(%arg7 : memref<!tpu.dma_semaphore, #tpu.memory_space<semaphore_mem>>) src(%dma_wait3A_6 : memref<8192x128xf32, #tpu.memory_space<hbm>>) dst(%arg6 : memref<256x128xf32, #tpu.memory_space<vmem>>)
    "tpu.region"() ({
      %run_scoped3A = tpu.sem_alloc : memref<!tpu.dma_semaphore, #tpu.memory_space<semaphore_mem>>
      %dma_start3A_7 = arith.constant 0 : i32
      %dma_start3A_8 = tpu.memref_slice %arg4[%mul3A_2, %dma_start3A_7] : memref<8192x128xf32, #tpu.memory_space<hbm>> -> memref<256x128xf32, #tpu.memory_space<hbm>>
      %dma_start3A_9 = arith.constant 0 : i32
      %dma_start3A_10 = tpu.memref_slice %arg4[%mul3A_2, %dma_start3A_9] : memref<8192x128xf32, #tpu.memory_space<hbm>> -> memref<256x128xf32, #tpu.memory_space<hbm>>
      tpu.enqueue_dma source(%arg6 : memref<256x128xf32, #tpu.memory_space<vmem>>) target(%dma_start3A_10 : memref<256x128xf32, #tpu.memory_space<hbm>>) target_semaphore(%run_scoped3A : memref<!tpu.dma_semaphore, #tpu.memory_space<semaphore_mem>>)
      %dma_wait3A_11 = arith.constant 0 : i32
      %dma_wait3A_12 = tpu.memref_slice %arg4[%mul3A_2, %dma_wait3A_11] : memref<8192x128xf32, #tpu.memory_space<hbm>> -> memref<256x128xf32, #tpu.memory_space<hbm>>
      %dma_wait3A_13 = arith.constant 0 : i32
      %dma_wait3A_14 = tpu.memref_slice %arg4[%mul3A_2, %dma_wait3A_13] : memref<8192x128xf32, #tpu.memory_space<hbm>> -> memref<256x128xf32, #tpu.memory_space<hbm>>
      tpu.wait_dma2 semaphore(%run_scoped3A : memref<!tpu.dma_semaphore, #tpu.memory_space<semaphore_mem>>) src(%arg6 : memref<256x128xf32, #tpu.memory_space<vmem>>) dst(%dma_wait3A_14 : memref<256x128xf32, #tpu.memory_space<hbm>>)
      tpu.yield
    }) : () -> ()
    return
  }
}

#map = affine_map<(d0, d1) -> (0, 0)>
#map1 = affine_map<(d0, d1) -> (0)>
module attributes {stable_mosaic.version = 14 : i64} {
  func.func @_sc_gather(%arg0: i32, %arg1: i32, %arg2: memref<8192x128xf32, #tpu.memory_space<hbm>>, %arg3: memref<8192xi32, #tpu.memory_space<hbm>>, %arg4: memref<8192x128xf32, #tpu.memory_space<hbm>>, %arg5: memref<256xi32, #tpu.memory_space<vmem>>, %arg6: memref<256x128xf32, #tpu.memory_space<vmem>>, %arg7: memref<!tpu.dma_semaphore, #tpu.memory_space<semaphore_mem>>) attributes {dimension_semantics = [#tpu.dimension_semantics<core_parallel>, #tpu.dimension_semantics<subcore_parallel>], iteration_bounds = array<i64: 2, 16>, scalar_prefetch = 0 : i64, scratch_operands = 3 : i64, tpu.core_type = #tpu.core_type<sc_vector_subcore>, window_params = [{transform_indices = #map}, {transform_indices = #map1}, {transform_indices = #map}]} {
    %mul3A = arith.constant 2 : i32
    %mul3A_0 = arith.muli %arg1, %mul3A : i32
    %add3A = arith.addi %mul3A_0, %arg0 : i32
    %mul3A_1 = arith.constant 256 : i32
    %mul3A_2 = arith.muli %add3A, %mul3A_1 : i32
    "tpu.region"() ({
      %run_scoped3A = tpu.sem_alloc : memref<!tpu.dma_semaphore, #tpu.memory_space<semaphore_mem>>
      %dma_start3A_7 = tpu.memref_slice %arg3[%mul3A_2] : memref<8192xi32, #tpu.memory_space<hbm>> -> memref<256xi32, #tpu.memory_space<hbm>>
      %dma_start3A_8 = tpu.memref_slice %arg3[%mul3A_2] : memref<8192xi32, #tpu.memory_space<hbm>> -> memref<256xi32, #tpu.memory_space<hbm>>
      tpu.enqueue_dma source(%dma_start3A_8 : memref<256xi32, #tpu.memory_space<hbm>>) target(%arg5 : memref<256xi32, #tpu.memory_space<vmem>>) target_semaphore(%run_scoped3A : memref<!tpu.dma_semaphore, #tpu.memory_space<semaphore_mem>>)
      %dma_wait3A_9 = tpu.memref_slice %arg3[%mul3A_2] : memref<8192xi32, #tpu.memory_space<hbm>> -> memref<256xi32, #tpu.memory_space<hbm>>
      %dma_wait3A_10 = tpu.memref_slice %arg3[%mul3A_2] : memref<8192xi32, #tpu.memory_space<hbm>> -> memref<256xi32, #tpu.memory_space<hbm>>
      tpu.wait_dma2 semaphore(%run_scoped3A : memref<!tpu.dma_semaphore, #tpu.memory_space<semaphore_mem>>) src(%dma_wait3A_10 : memref<256xi32, #tpu.memory_space<hbm>>) dst(%arg5 : memref<256xi32, #tpu.memory_space<vmem>>)
      tpu.yield
    }) : () -> ()
    %dma_start3A = arith.constant 0 : i32
    %dma_start3A_3 = arith.constant 0 : i32
    %dma_start3A_4 = tpu.memref_slice %arg2[%dma_start3A, %dma_start3A_3] : memref<8192x128xf32, #tpu.memory_space<hbm>> -> memref<8192x128xf32, #tpu.memory_space<hbm>>
    tpu.enqueue_indirect_dma source(%dma_start3A_4 : memref<8192x128xf32, #tpu.memory_space<hbm>>) target(%arg6 : memref<256x128xf32, #tpu.memory_space<vmem>>) offsets(%arg5 : memref<256xi32, #tpu.memory_space<vmem>>) semaphore(%arg7 : memref<!tpu.dma_semaphore, #tpu.memory_space<semaphore_mem>>)
    %dma_wait3A = arith.constant 0 : i32
    %dma_wait3A_5 = arith.constant 0 : i32
    %dma_wait3A_6 = tpu.memref_slice %arg2[%dma_wait3A, %dma_wait3A_5] : memref<8192x128xf32, #tpu.memory_space<hbm>> -> memref<8192x128xf32, #tpu.memory_space<hbm>>
    tpu.wait_indirect_dma semaphore(%arg7 : memref<!tpu.dma_semaphore, #tpu.memory_space<semaphore_mem>>) src(%dma_wait3A_6 : memref<8192x128xf32, #tpu.memory_space<hbm>>) dst(%arg6 : memref<256x128xf32, #tpu.memory_space<vmem>>)
    "tpu.region"() ({
      %run_scoped3A = tpu.sem_alloc : memref<!tpu.dma_semaphore, #tpu.memory_space<semaphore_mem>>
      %dma_start3A_7 = arith.constant 0 : i32
      %dma_start3A_8 = tpu.memref_slice %arg4[%mul3A_2, %dma_start3A_7] : memref<8192x128xf32, #tpu.memory_space<hbm>> -> memref<256x128xf32, #tpu.memory_space<hbm>>
      %dma_start3A_9 = arith.constant 0 : i32
      %dma_start3A_10 = tpu.memref_slice %arg4[%mul3A_2, %dma_start3A_9] : memref<8192x128xf32, #tpu.memory_space<hbm>> -> memref<256x128xf32, #tpu.memory_space<hbm>>
      tpu.enqueue_dma source(%arg6 : memref<256x128xf32, #tpu.memory_space<vmem>>) target(%dma_start3A_10 : memref<256x128xf32, #tpu.memory_space<hbm>>) target_semaphore(%run_scoped3A : memref<!tpu.dma_semaphore, #tpu.memory_space<semaphore_mem>>)
      %dma_wait3A_11 = arith.constant 0 : i32
      %dma_wait3A_12 = tpu.memref_slice %arg4[%mul3A_2, %dma_wait3A_11] : memref<8192x128xf32, #tpu.memory_space<hbm>> -> memref<256x128xf32, #tpu.memory_space<hbm>>
      %dma_wait3A_13 = arith.constant 0 : i32
      %dma_wait3A_14 = tpu.memref_slice %arg4[%mul3A_2, %dma_wait3A_13] : memref<8192x128xf32, #tpu.memory_space<hbm>> -> memref<256x128xf32, #tpu.memory_space<hbm>>
      tpu.wait_dma2 semaphore(%run_scoped3A : memref<!tpu.dma_semaphore, #tpu.memory_space<semaphore_mem>>) src(%arg6 : memref<256x128xf32, #tpu.memory_space<vmem>>) dst(%dma_wait3A_14 : memref<256x128xf32, #tpu.memory_space<hbm>>)
      tpu.yield
    }) : () -> ()
    return
  }
}

#map = affine_map<(d0, d1) -> (0, 0)>
#map1 = affine_map<(d0, d1) -> (0)>
module attributes {stable_mosaic.version = 14 : i64} {
  func.func @_sc_gather(%arg0: i32, %arg1: i32, %arg2: memref<8192x128xf32, #tpu.memory_space<hbm>>, %arg3: memref<8192xi32, #tpu.memory_space<hbm>>, %arg4: memref<8192x128xf32, #tpu.memory_space<hbm>>, %arg5: memref<256xi32, #tpu.memory_space<vmem>>, %arg6: memref<256x128xf32, #tpu.memory_space<vmem>>, %arg7: memref<!tpu.dma_semaphore, #tpu.memory_space<semaphore_mem>>) attributes {dimension_semantics = [#tpu.dimension_semantics<core_parallel>, #tpu.dimension_semantics<subcore_parallel>], iteration_bounds = array<i64: 2, 16>, scalar_prefetch = 0 : i64, scratch_operands = 3 : i64, tpu.core_type = #tpu.core_type<sc_vector_subcore>, window_params = [{transform_indices = #map}, {transform_indices = #map1}, {transform_indices = #map}]} {
    %mul3A = arith.constant 2 : i32
    %mul3A_0 = arith.muli %arg1, %mul3A : i32
    %add3A = arith.addi %mul3A_0, %arg0 : i32
    %mul3A_1 = arith.constant 256 : i32
    %mul3A_2 = arith.muli %add3A, %mul3A_1 : i32
    "tpu.region"() ({
      %run_scoped3A = tpu.sem_alloc : memref<!tpu.dma_semaphore, #tpu.memory_space<semaphore_mem>>
      %dma_start3A_7 = tpu.memref_slice %arg3[%mul3A_2] : memref<8192xi32, #tpu.memory_space<hbm>> -> memref<256xi32, #tpu.memory_space<hbm>>
      %dma_start3A_8 = tpu.memref_slice %arg3[%mul3A_2] : memref<8192xi32, #tpu.memory_space<hbm>> -> memref<256xi32, #tpu.memory_space<hbm>>
      tpu.enqueue_dma source(%dma_start3A_8 : memref<256xi32, #tpu.memory_space<hbm>>) target(%arg5 : memref<256xi32, #tpu.memory_space<vmem>>) target_semaphore(%run_scoped3A : memref<!tpu.dma_semaphore, #tpu.memory_space<semaphore_mem>>)
      %dma_wait3A_9 = tpu.memref_slice %arg3[%mul3A_2] : memref<8192xi32, #tpu.memory_space<hbm>> -> memref<256xi32, #tpu.memory_space<hbm>>
      %dma_wait3A_10 = tpu.memref_slice %arg3[%mul3A_2] : memref<8192xi32, #tpu.memory_space<hbm>> -> memref<256xi32, #tpu.memory_space<hbm>>
      tpu.wait_dma2 semaphore(%run_scoped3A : memref<!tpu.dma_semaphore, #tpu.memory_space<semaphore_mem>>) src(%dma_wait3A_10 : memref<256xi32, #tpu.memory_space<hbm>>) dst(%arg5 : memref<256xi32, #tpu.memory_space<vmem>>)
      tpu.yield
    }) : () -> ()
    %dma_start3A = arith.constant 0 : i32
    %dma_start3A_3 = arith.constant 0 : i32
    %dma_start3A_4 = tpu.memref_slice %arg2[%dma_start3A, %dma_start3A_3] : memref<8192x128xf32, #tpu.memory_space<hbm>> -> memref<8192x128xf32, #tpu.memory_space<hbm>>
    tpu.enqueue_indirect_dma source(%dma_start3A_4 : memref<8192x128xf32, #tpu.memory_space<hbm>>) target(%arg6 : memref<256x128xf32, #tpu.memory_space<vmem>>) offsets(%arg5 : memref<256xi32, #tpu.memory_space<vmem>>) semaphore(%arg7 : memref<!tpu.dma_semaphore, #tpu.memory_space<semaphore_mem>>)
    %dma_wait3A = arith.constant 0 : i32
    %dma_wait3A_5 = arith.constant 0 : i32
    %dma_wait3A_6 = tpu.memref_slice %arg2[%dma_wait3A, %dma_wait3A_5] : memref<8192x128xf32, #tpu.memory_space<hbm>> -> memref<8192x128xf32, #tpu.memory_space<hbm>>
    tpu.wait_indirect_dma semaphore(%arg7 : memref<!tpu.dma_semaphore, #tpu.memory_space<semaphore_mem>>) src(%dma_wait3A_6 : memref<8192x128xf32, #tpu.memory_space<hbm>>) dst(%arg6 : memref<256x128xf32, #tpu.memory_space<vmem>>)
    "tpu.region"() ({
      %run_scoped3A = tpu.sem_alloc : memref<!tpu.dma_semaphore, #tpu.memory_space<semaphore_mem>>
      %dma_start3A_7 = arith.constant 0 : i32
      %dma_start3A_8 = tpu.memref_slice %arg4[%mul3A_2, %dma_start3A_7] : memref<8192x128xf32, #tpu.memory_space<hbm>> -> memref<256x128xf32, #tpu.memory_space<hbm>>
      %dma_start3A_9 = arith.constant 0 : i32
      %dma_start3A_10 = tpu.memref_slice %arg4[%mul3A_2, %dma_start3A_9] : memref<8192x128xf32, #tpu.memory_space<hbm>> -> memref<256x128xf32, #tpu.memory_space<hbm>>
      tpu.enqueue_dma source(%arg6 : memref<256x128xf32, #tpu.memory_space<vmem>>) target(%dma_start3A_10 : memref<256x128xf32, #tpu.memory_space<hbm>>) target_semaphore(%run_scoped3A : memref<!tpu.dma_semaphore, #tpu.memory_space<semaphore_mem>>)
      %dma_wait3A_11 = arith.constant 0 : i32
      %dma_wait3A_12 = tpu.memref_slice %arg4[%mul3A_2, %dma_wait3A_11] : memref<8192x128xf32, #tpu.memory_space<hbm>> -> memref<256x128xf32, #tpu.memory_space<hbm>>
      %dma_wait3A_13 = arith.constant 0 : i32
      %dma_wait3A_14 = tpu.memref_slice %arg4[%mul3A_2, %dma_wait3A_13] : memref<8192x128xf32, #tpu.memory_space<hbm>> -> memref<256x128xf32, #tpu.memory_space<hbm>>
      tpu.wait_dma2 semaphore(%run_scoped3A : memref<!tpu.dma_semaphore, #tpu.memory_space<semaphore_mem>>) src(%arg6 : memref<256x128xf32, #tpu.memory_space<vmem>>) dst(%dma_wait3A_14 : memref<256x128xf32, #tpu.memory_space<hbm>>)
      tpu.yield
    }) : () -> ()
    return
  }
}

#map = affine_map<(d0, d1) -> (0, 0)>
#map1 = affine_map<(d0, d1) -> (0)>
module attributes {stable_mosaic.version = 14 : i64} {
  func.func @_sc_gather(%arg0: i32, %arg1: i32, %arg2: memref<8192x128xf32, #tpu.memory_space<hbm>>, %arg3: memref<8192xi32, #tpu.memory_space<hbm>>, %arg4: memref<8192x128xf32, #tpu.memory_space<hbm>>, %arg5: memref<256xi32, #tpu.memory_space<vmem>>, %arg6: memref<256x128xf32, #tpu.memory_space<vmem>>, %arg7: memref<!tpu.dma_semaphore, #tpu.memory_space<semaphore_mem>>) attributes {dimension_semantics = [#tpu.dimension_semantics<core_parallel>, #tpu.dimension_semantics<subcore_parallel>], iteration_bounds = array<i64: 2, 16>, scalar_prefetch = 0 : i64, scratch_operands = 3 : i64, tpu.core_type = #tpu.core_type<sc_vector_subcore>, window_params = [{transform_indices = #map}, {transform_indices = #map1}, {transform_indices = #map}]} {
    %mul3A = arith.constant 2 : i32
    %mul3A_0 = arith.muli %arg1, %mul3A : i32
    %add3A = arith.addi %mul3A_0, %arg0 : i32
    %mul3A_1 = arith.constant 256 : i32
    %mul3A_2 = arith.muli %add3A, %mul3A_1 : i32
    "tpu.region"() ({
      %run_scoped3A = tpu.sem_alloc : memref<!tpu.dma_semaphore, #tpu.memory_space<semaphore_mem>>
      %dma_start3A_7 = tpu.memref_slice %arg3[%mul3A_2] : memref<8192xi32, #tpu.memory_space<hbm>> -> memref<256xi32, #tpu.memory_space<hbm>>
      %dma_start3A_8 = tpu.memref_slice %arg3[%mul3A_2] : memref<8192xi32, #tpu.memory_space<hbm>> -> memref<256xi32, #tpu.memory_space<hbm>>
      tpu.enqueue_dma source(%dma_start3A_8 : memref<256xi32, #tpu.memory_space<hbm>>) target(%arg5 : memref<256xi32, #tpu.memory_space<vmem>>) target_semaphore(%run_scoped3A : memref<!tpu.dma_semaphore, #tpu.memory_space<semaphore_mem>>)
      %dma_wait3A_9 = tpu.memref_slice %arg3[%mul3A_2] : memref<8192xi32, #tpu.memory_space<hbm>> -> memref<256xi32, #tpu.memory_space<hbm>>
      %dma_wait3A_10 = tpu.memref_slice %arg3[%mul3A_2] : memref<8192xi32, #tpu.memory_space<hbm>> -> memref<256xi32, #tpu.memory_space<hbm>>
      tpu.wait_dma2 semaphore(%run_scoped3A : memref<!tpu.dma_semaphore, #tpu.memory_space<semaphore_mem>>) src(%dma_wait3A_10 : memref<256xi32, #tpu.memory_space<hbm>>) dst(%arg5 : memref<256xi32, #tpu.memory_space<vmem>>)
      tpu.yield
    }) : () -> ()
    %dma_start3A = arith.constant 0 : i32
    %dma_start3A_3 = arith.constant 0 : i32
    %dma_start3A_4 = tpu.memref_slice %arg2[%dma_start3A, %dma_start3A_3] : memref<8192x128xf32, #tpu.memory_space<hbm>> -> memref<8192x128xf32, #tpu.memory_space<hbm>>
    tpu.enqueue_indirect_dma source(%dma_start3A_4 : memref<8192x128xf32, #tpu.memory_space<hbm>>) target(%arg6 : memref<256x128xf32, #tpu.memory_space<vmem>>) offsets(%arg5 : memref<256xi32, #tpu.memory_space<vmem>>) semaphore(%arg7 : memref<!tpu.dma_semaphore, #tpu.memory_space<semaphore_mem>>)
    %dma_wait3A = arith.constant 0 : i32
    %dma_wait3A_5 = arith.constant 0 : i32
    %dma_wait3A_6 = tpu.memref_slice %arg2[%dma_wait3A, %dma_wait3A_5] : memref<8192x128xf32, #tpu.memory_space<hbm>> -> memref<8192x128xf32, #tpu.memory_space<hbm>>
    tpu.wait_indirect_dma semaphore(%arg7 : memref<!tpu.dma_semaphore, #tpu.memory_space<semaphore_mem>>) src(%dma_wait3A_6 : memref<8192x128xf32, #tpu.memory_space<hbm>>) dst(%arg6 : memref<256x128xf32, #tpu.memory_space<vmem>>)
    "tpu.region"() ({
      %run_scoped3A = tpu.sem_alloc : memref<!tpu.dma_semaphore, #tpu.memory_space<semaphore_mem>>
      %dma_start3A_7 = arith.constant 0 : i32
      %dma_start3A_8 = tpu.memref_slice %arg4[%mul3A_2, %dma_start3A_7] : memref<8192x128xf32, #tpu.memory_space<hbm>> -> memref<256x128xf32, #tpu.memory_space<hbm>>
      %dma_start3A_9 = arith.constant 0 : i32
      %dma_start3A_10 = tpu.memref_slice %arg4[%mul3A_2, %dma_start3A_9] : memref<8192x128xf32, #tpu.memory_space<hbm>> -> memref<256x128xf32, #tpu.memory_space<hbm>>
      tpu.enqueue_dma source(%arg6 : memref<256x128xf32, #tpu.memory_space<vmem>>) target(%dma_start3A_10 : memref<256x128xf32, #tpu.memory_space<hbm>>) target_semaphore(%run_scoped3A : memref<!tpu.dma_semaphore, #tpu.memory_space<semaphore_mem>>)
      %dma_wait3A_11 = arith.constant 0 : i32
      %dma_wait3A_12 = tpu.memref_slice %arg4[%mul3A_2, %dma_wait3A_11] : memref<8192x128xf32, #tpu.memory_space<hbm>> -> memref<256x128xf32, #tpu.memory_space<hbm>>
      %dma_wait3A_13 = arith.constant 0 : i32
      %dma_wait3A_14 = tpu.memref_slice %arg4[%mul3A_2, %dma_wait3A_13] : memref<8192x128xf32, #tpu.memory_space<hbm>> -> memref<256x128xf32, #tpu.memory_space<hbm>>
      tpu.wait_dma2 semaphore(%run_scoped3A : memref<!tpu.dma_semaphore, #tpu.memory_space<semaphore_mem>>) src(%arg6 : memref<256x128xf32, #tpu.memory_space<vmem>>) dst(%dma_wait3A_14 : memref<256x128xf32, #tpu.memory_space<hbm>>)
      tpu.yield
    }) : () -> ()
    return
  }
}

#map = affine_map<(d0, d1) -> (0, 0)>
#map1 = affine_map<(d0, d1) -> (0)>
module attributes {stable_mosaic.version = 14 : i64} {
  func.func @_sc_gather(%arg0: i32, %arg1: i32, %arg2: memref<8192x128xf32, #tpu.memory_space<hbm>>, %arg3: memref<8192xi32, #tpu.memory_space<hbm>>, %arg4: memref<8192x128xf32, #tpu.memory_space<hbm>>, %arg5: memref<256xi32, #tpu.memory_space<vmem>>, %arg6: memref<256x128xf32, #tpu.memory_space<vmem>>, %arg7: memref<!tpu.dma_semaphore, #tpu.memory_space<semaphore_mem>>) attributes {dimension_semantics = [#tpu.dimension_semantics<core_parallel>, #tpu.dimension_semantics<subcore_parallel>], iteration_bounds = array<i64: 2, 16>, scalar_prefetch = 0 : i64, scratch_operands = 3 : i64, tpu.core_type = #tpu.core_type<sc_vector_subcore>, window_params = [{transform_indices = #map}, {transform_indices = #map1}, {transform_indices = #map}]} {
    %mul3A = arith.constant 2 : i32
    %mul3A_0 = arith.muli %arg1, %mul3A : i32
    %add3A = arith.addi %mul3A_0, %arg0 : i32
    %mul3A_1 = arith.constant 256 : i32
    %mul3A_2 = arith.muli %add3A, %mul3A_1 : i32
    "tpu.region"() ({
      %run_scoped3A = tpu.sem_alloc : memref<!tpu.dma_semaphore, #tpu.memory_space<semaphore_mem>>
      %dma_start3A_7 = tpu.memref_slice %arg3[%mul3A_2] : memref<8192xi32, #tpu.memory_space<hbm>> -> memref<256xi32, #tpu.memory_space<hbm>>
      %dma_start3A_8 = tpu.memref_slice %arg3[%mul3A_2] : memref<8192xi32, #tpu.memory_space<hbm>> -> memref<256xi32, #tpu.memory_space<hbm>>
      tpu.enqueue_dma source(%dma_start3A_8 : memref<256xi32, #tpu.memory_space<hbm>>) target(%arg5 : memref<256xi32, #tpu.memory_space<vmem>>) target_semaphore(%run_scoped3A : memref<!tpu.dma_semaphore, #tpu.memory_space<semaphore_mem>>)
      %dma_wait3A_9 = tpu.memref_slice %arg3[%mul3A_2] : memref<8192xi32, #tpu.memory_space<hbm>> -> memref<256xi32, #tpu.memory_space<hbm>>
      %dma_wait3A_10 = tpu.memref_slice %arg3[%mul3A_2] : memref<8192xi32, #tpu.memory_space<hbm>> -> memref<256xi32, #tpu.memory_space<hbm>>
      tpu.wait_dma2 semaphore(%run_scoped3A : memref<!tpu.dma_semaphore, #tpu.memory_space<semaphore_mem>>) src(%dma_wait3A_10 : memref<256xi32, #tpu.memory_space<hbm>>) dst(%arg5 : memref<256xi32, #tpu.memory_space<vmem>>)
      tpu.yield
    }) : () -> ()
    %dma_start3A = arith.constant 0 : i32
    %dma_start3A_3 = arith.constant 0 : i32
    %dma_start3A_4 = tpu.memref_slice %arg2[%dma_start3A, %dma_start3A_3] : memref<8192x128xf32, #tpu.memory_space<hbm>> -> memref<8192x128xf32, #tpu.memory_space<hbm>>
    tpu.enqueue_indirect_dma source(%dma_start3A_4 : memref<8192x128xf32, #tpu.memory_space<hbm>>) target(%arg6 : memref<256x128xf32, #tpu.memory_space<vmem>>) offsets(%arg5 : memref<256xi32, #tpu.memory_space<vmem>>) semaphore(%arg7 : memref<!tpu.dma_semaphore, #tpu.memory_space<semaphore_mem>>)
    %dma_wait3A = arith.constant 0 : i32
    %dma_wait3A_5 = arith.constant 0 : i32
    %dma_wait3A_6 = tpu.memref_slice %arg2[%dma_wait3A, %dma_wait3A_5] : memref<8192x128xf32, #tpu.memory_space<hbm>> -> memref<8192x128xf32, #tpu.memory_space<hbm>>
    tpu.wait_indirect_dma semaphore(%arg7 : memref<!tpu.dma_semaphore, #tpu.memory_space<semaphore_mem>>) src(%dma_wait3A_6 : memref<8192x128xf32, #tpu.memory_space<hbm>>) dst(%arg6 : memref<256x128xf32, #tpu.memory_space<vmem>>)
    "tpu.region"() ({
      %run_scoped3A = tpu.sem_alloc : memref<!tpu.dma_semaphore, #tpu.memory_space<semaphore_mem>>
      %dma_start3A_7 = arith.constant 0 : i32
      %dma_start3A_8 = tpu.memref_slice %arg4[%mul3A_2, %dma_start3A_7] : memref<8192x128xf32, #tpu.memory_space<hbm>> -> memref<256x128xf32, #tpu.memory_space<hbm>>
      %dma_start3A_9 = arith.constant 0 : i32
      %dma_start3A_10 = tpu.memref_slice %arg4[%mul3A_2, %dma_start3A_9] : memref<8192x128xf32, #tpu.memory_space<hbm>> -> memref<256x128xf32, #tpu.memory_space<hbm>>
      tpu.enqueue_dma source(%arg6 : memref<256x128xf32, #tpu.memory_space<vmem>>) target(%dma_start3A_10 : memref<256x128xf32, #tpu.memory_space<hbm>>) target_semaphore(%run_scoped3A : memref<!tpu.dma_semaphore, #tpu.memory_space<semaphore_mem>>)
      %dma_wait3A_11 = arith.constant 0 : i32
      %dma_wait3A_12 = tpu.memref_slice %arg4[%mul3A_2, %dma_wait3A_11] : memref<8192x128xf32, #tpu.memory_space<hbm>> -> memref<256x128xf32, #tpu.memory_space<hbm>>
      %dma_wait3A_13 = arith.constant 0 : i32
      %dma_wait3A_14 = tpu.memref_slice %arg4[%mul3A_2, %dma_wait3A_13] : memref<8192x128xf32, #tpu.memory_space<hbm>> -> memref<256x128xf32, #tpu.memory_space<hbm>>
      tpu.wait_dma2 semaphore(%run_scoped3A : memref<!tpu.dma_semaphore, #tpu.memory_space<semaphore_mem>>) src(%arg6 : memref<256x128xf32, #tpu.memory_space<vmem>>) dst(%dma_wait3A_14 : memref<256x128xf32, #tpu.memory_space<hbm>>)
      tpu.yield
    }) : () -> ()
    return
  }
}

#map = affine_map<(d0, d1) -> (0, 0)>
#map1 = affine_map<(d0, d1) -> (0)>
module attributes {stable_mosaic.version = 14 : i64} {
  func.func @_sc_gather(%arg0: i32, %arg1: i32, %arg2: memref<8192x128xf32, #tpu.memory_space<hbm>>, %arg3: memref<8192xi32, #tpu.memory_space<hbm>>, %arg4: memref<8192x128xf32, #tpu.memory_space<hbm>>, %arg5: memref<256xi32, #tpu.memory_space<vmem>>, %arg6: memref<256x128xf32, #tpu.memory_space<vmem>>, %arg7: memref<!tpu.dma_semaphore, #tpu.memory_space<semaphore_mem>>) attributes {dimension_semantics = [#tpu.dimension_semantics<core_parallel>, #tpu.dimension_semantics<subcore_parallel>], iteration_bounds = array<i64: 2, 16>, scalar_prefetch = 0 : i64, scratch_operands = 3 : i64, tpu.core_type = #tpu.core_type<sc_vector_subcore>, window_params = [{transform_indices = #map}, {transform_indices = #map1}, {transform_indices = #map}]} {
    %mul3A = arith.constant 2 : i32
    %mul3A_0 = arith.muli %arg1, %mul3A : i32
    %add3A = arith.addi %mul3A_0, %arg0 : i32
    %mul3A_1 = arith.constant 256 : i32
    %mul3A_2 = arith.muli %add3A, %mul3A_1 : i32
    "tpu.region"() ({
      %run_scoped3A = tpu.sem_alloc : memref<!tpu.dma_semaphore, #tpu.memory_space<semaphore_mem>>
      %dma_start3A_7 = tpu.memref_slice %arg3[%mul3A_2] : memref<8192xi32, #tpu.memory_space<hbm>> -> memref<256xi32, #tpu.memory_space<hbm>>
      %dma_start3A_8 = tpu.memref_slice %arg3[%mul3A_2] : memref<8192xi32, #tpu.memory_space<hbm>> -> memref<256xi32, #tpu.memory_space<hbm>>
      tpu.enqueue_dma source(%dma_start3A_8 : memref<256xi32, #tpu.memory_space<hbm>>) target(%arg5 : memref<256xi32, #tpu.memory_space<vmem>>) target_semaphore(%run_scoped3A : memref<!tpu.dma_semaphore, #tpu.memory_space<semaphore_mem>>)
      %dma_wait3A_9 = tpu.memref_slice %arg3[%mul3A_2] : memref<8192xi32, #tpu.memory_space<hbm>> -> memref<256xi32, #tpu.memory_space<hbm>>
      %dma_wait3A_10 = tpu.memref_slice %arg3[%mul3A_2] : memref<8192xi32, #tpu.memory_space<hbm>> -> memref<256xi32, #tpu.memory_space<hbm>>
      tpu.wait_dma2 semaphore(%run_scoped3A : memref<!tpu.dma_semaphore, #tpu.memory_space<semaphore_mem>>) src(%dma_wait3A_10 : memref<256xi32, #tpu.memory_space<hbm>>) dst(%arg5 : memref<256xi32, #tpu.memory_space<vmem>>)
      tpu.yield
    }) : () -> ()
    %dma_start3A = arith.constant 0 : i32
    %dma_start3A_3 = arith.constant 0 : i32
    %dma_start3A_4 = tpu.memref_slice %arg2[%dma_start3A, %dma_start3A_3] : memref<8192x128xf32, #tpu.memory_space<hbm>> -> memref<8192x128xf32, #tpu.memory_space<hbm>>
    tpu.enqueue_indirect_dma source(%dma_start3A_4 : memref<8192x128xf32, #tpu.memory_space<hbm>>) target(%arg6 : memref<256x128xf32, #tpu.memory_space<vmem>>) offsets(%arg5 : memref<256xi32, #tpu.memory_space<vmem>>) semaphore(%arg7 : memref<!tpu.dma_semaphore, #tpu.memory_space<semaphore_mem>>)
    %dma_wait3A = arith.constant 0 : i32
    %dma_wait3A_5 = arith.constant 0 : i32
    %dma_wait3A_6 = tpu.memref_slice %arg2[%dma_wait3A, %dma_wait3A_5] : memref<8192x128xf32, #tpu.memory_space<hbm>> -> memref<8192x128xf32, #tpu.memory_space<hbm>>
    tpu.wait_indirect_dma semaphore(%arg7 : memref<!tpu.dma_semaphore, #tpu.memory_space<semaphore_mem>>) src(%dma_wait3A_6 : memref<8192x128xf32, #tpu.memory_space<hbm>>) dst(%arg6 : memref<256x128xf32, #tpu.memory_space<vmem>>)
    "tpu.region"() ({
      %run_scoped3A = tpu.sem_alloc : memref<!tpu.dma_semaphore, #tpu.memory_space<semaphore_mem>>
      %dma_start3A_7 = arith.constant 0 : i32
      %dma_start3A_8 = tpu.memref_slice %arg4[%mul3A_2, %dma_start3A_7] : memref<8192x128xf32, #tpu.memory_space<hbm>> -> memref<256x128xf32, #tpu.memory_space<hbm>>
      %dma_start3A_9 = arith.constant 0 : i32
      %dma_start3A_10 = tpu.memref_slice %arg4[%mul3A_2, %dma_start3A_9] : memref<8192x128xf32, #tpu.memory_space<hbm>> -> memref<256x128xf32, #tpu.memory_space<hbm>>
      tpu.enqueue_dma source(%arg6 : memref<256x128xf32, #tpu.memory_space<vmem>>) target(%dma_start3A_10 : memref<256x128xf32, #tpu.memory_space<hbm>>) target_semaphore(%run_scoped3A : memref<!tpu.dma_semaphore, #tpu.memory_space<semaphore_mem>>)
      %dma_wait3A_11 = arith.constant 0 : i32
      %dma_wait3A_12 = tpu.memref_slice %arg4[%mul3A_2, %dma_wait3A_11] : memref<8192x128xf32, #tpu.memory_space<hbm>> -> memref<256x128xf32, #tpu.memory_space<hbm>>
      %dma_wait3A_13 = arith.constant 0 : i32
      %dma_wait3A_14 = tpu.memref_slice %arg4[%mul3A_2, %dma_wait3A_13] : memref<8192x128xf32, #tpu.memory_space<hbm>> -> memref<256x128xf32, #tpu.memory_space<hbm>>
      tpu.wait_dma2 semaphore(%run_scoped3A : memref<!tpu.dma_semaphore, #tpu.memory_space<semaphore_mem>>) src(%arg6 : memref<256x128xf32, #tpu.memory_space<vmem>>) dst(%dma_wait3A_14 : memref<256x128xf32, #tpu.memory_space<hbm>>)
      tpu.yield
    }) : () -> ()
    return
  }
}

#map = affine_map<(d0, d1) -> (0, 0)>
#map1 = affine_map<(d0, d1) -> (0)>
module attributes {stable_mosaic.version = 14 : i64} {
  func.func @_sc_gather(%arg0: i32, %arg1: i32, %arg2: memref<8192x128xf32, #tpu.memory_space<hbm>>, %arg3: memref<8192xi32, #tpu.memory_space<hbm>>, %arg4: memref<8192x128xf32, #tpu.memory_space<hbm>>, %arg5: memref<256xi32, #tpu.memory_space<vmem>>, %arg6: memref<256x128xf32, #tpu.memory_space<vmem>>, %arg7: memref<!tpu.dma_semaphore, #tpu.memory_space<semaphore_mem>>) attributes {dimension_semantics = [#tpu.dimension_semantics<core_parallel>, #tpu.dimension_semantics<subcore_parallel>], iteration_bounds = array<i64: 2, 16>, scalar_prefetch = 0 : i64, scratch_operands = 3 : i64, tpu.core_type = #tpu.core_type<sc_vector_subcore>, window_params = [{transform_indices = #map}, {transform_indices = #map1}, {transform_indices = #map}]} {
    %mul3A = arith.constant 2 : i32
    %mul3A_0 = arith.muli %arg1, %mul3A : i32
    %add3A = arith.addi %mul3A_0, %arg0 : i32
    %mul3A_1 = arith.constant 256 : i32
    %mul3A_2 = arith.muli %add3A, %mul3A_1 : i32
    "tpu.region"() ({
      %run_scoped3A = tpu.sem_alloc : memref<!tpu.dma_semaphore, #tpu.memory_space<semaphore_mem>>
      %dma_start3A_7 = tpu.memref_slice %arg3[%mul3A_2] : memref<8192xi32, #tpu.memory_space<hbm>> -> memref<256xi32, #tpu.memory_space<hbm>>
      %dma_start3A_8 = tpu.memref_slice %arg3[%mul3A_2] : memref<8192xi32, #tpu.memory_space<hbm>> -> memref<256xi32, #tpu.memory_space<hbm>>
      tpu.enqueue_dma source(%dma_start3A_8 : memref<256xi32, #tpu.memory_space<hbm>>) target(%arg5 : memref<256xi32, #tpu.memory_space<vmem>>) target_semaphore(%run_scoped3A : memref<!tpu.dma_semaphore, #tpu.memory_space<semaphore_mem>>)
      %dma_wait3A_9 = tpu.memref_slice %arg3[%mul3A_2] : memref<8192xi32, #tpu.memory_space<hbm>> -> memref<256xi32, #tpu.memory_space<hbm>>
      %dma_wait3A_10 = tpu.memref_slice %arg3[%mul3A_2] : memref<8192xi32, #tpu.memory_space<hbm>> -> memref<256xi32, #tpu.memory_space<hbm>>
      tpu.wait_dma2 semaphore(%run_scoped3A : memref<!tpu.dma_semaphore, #tpu.memory_space<semaphore_mem>>) src(%dma_wait3A_10 : memref<256xi32, #tpu.memory_space<hbm>>) dst(%arg5 : memref<256xi32, #tpu.memory_space<vmem>>)
      tpu.yield
    }) : () -> ()
    %dma_start3A = arith.constant 0 : i32
    %dma_start3A_3 = arith.constant 0 : i32
    %dma_start3A_4 = tpu.memref_slice %arg2[%dma_start3A, %dma_start3A_3] : memref<8192x128xf32, #tpu.memory_space<hbm>> -> memref<8192x128xf32, #tpu.memory_space<hbm>>
    tpu.enqueue_indirect_dma source(%dma_start3A_4 : memref<8192x128xf32, #tpu.memory_space<hbm>>) target(%arg6 : memref<256x128xf32, #tpu.memory_space<vmem>>) offsets(%arg5 : memref<256xi32, #tpu.memory_space<vmem>>) semaphore(%arg7 : memref<!tpu.dma_semaphore, #tpu.memory_space<semaphore_mem>>)
    %dma_wait3A = arith.constant 0 : i32
    %dma_wait3A_5 = arith.constant 0 : i32
    %dma_wait3A_6 = tpu.memref_slice %arg2[%dma_wait3A, %dma_wait3A_5] : memref<8192x128xf32, #tpu.memory_space<hbm>> -> memref<8192x128xf32, #tpu.memory_space<hbm>>
    tpu.wait_indirect_dma semaphore(%arg7 : memref<!tpu.dma_semaphore, #tpu.memory_space<semaphore_mem>>) src(%dma_wait3A_6 : memref<8192x128xf32, #tpu.memory_space<hbm>>) dst(%arg6 : memref<256x128xf32, #tpu.memory_space<vmem>>)
    "tpu.region"() ({
      %run_scoped3A = tpu.sem_alloc : memref<!tpu.dma_semaphore, #tpu.memory_space<semaphore_mem>>
      %dma_start3A_7 = arith.constant 0 : i32
      %dma_start3A_8 = tpu.memref_slice %arg4[%mul3A_2, %dma_start3A_7] : memref<8192x128xf32, #tpu.memory_space<hbm>> -> memref<256x128xf32, #tpu.memory_space<hbm>>
      %dma_start3A_9 = arith.constant 0 : i32
      %dma_start3A_10 = tpu.memref_slice %arg4[%mul3A_2, %dma_start3A_9] : memref<8192x128xf32, #tpu.memory_space<hbm>> -> memref<256x128xf32, #tpu.memory_space<hbm>>
      tpu.enqueue_dma source(%arg6 : memref<256x128xf32, #tpu.memory_space<vmem>>) target(%dma_start3A_10 : memref<256x128xf32, #tpu.memory_space<hbm>>) target_semaphore(%run_scoped3A : memref<!tpu.dma_semaphore, #tpu.memory_space<semaphore_mem>>)
      %dma_wait3A_11 = arith.constant 0 : i32
      %dma_wait3A_12 = tpu.memref_slice %arg4[%mul3A_2, %dma_wait3A_11] : memref<8192x128xf32, #tpu.memory_space<hbm>> -> memref<256x128xf32, #tpu.memory_space<hbm>>
      %dma_wait3A_13 = arith.constant 0 : i32
      %dma_wait3A_14 = tpu.memref_slice %arg4[%mul3A_2, %dma_wait3A_13] : memref<8192x128xf32, #tpu.memory_space<hbm>> -> memref<256x128xf32, #tpu.memory_space<hbm>>
      tpu.wait_dma2 semaphore(%run_scoped3A : memref<!tpu.dma_semaphore, #tpu.memory_space<semaphore_mem>>) src(%arg6 : memref<256x128xf32, #tpu.memory_space<vmem>>) dst(%dma_wait3A_14 : memref<256x128xf32, #tpu.memory_space<hbm>>)
      tpu.yield
    }) : () -> ()
    return
  }
}

module attributes {stable_mosaic.version = 14 : i64} {
  func.func @_stage_kernel(%arg0: i32, %arg1: memref<512x32xf32, #tpu.memory_space<vmem>>, %arg2: memref<512x32xf32, #tpu.memory_space<vmem>>, %arg3: memref<512x32xf32, #tpu.memory_space<vmem>>, %arg4: memref<32x8192xf32, #tpu.memory_space<vmem>>, %arg5: memref<1x8192xf32, #tpu.memory_space<vmem>>, %arg6: memref<512x1xi32, #tpu.memory_space<vmem>>, %arg7: memref<512x32xf32, #tpu.memory_space<vmem>>, %arg8: memref<512x32xf32, #tpu.memory_space<vmem>>, %arg9: memref<256x8192xf32, #tpu.memory_space<vmem>>) attributes {dimension_semantics = [#tpu.dimension_semantics<arbitrary>], iteration_bounds = array<i64: 16>, scalar_prefetch = 0 : i64, scratch_operands = 1 : i64, tpu.core_type = #tpu.core_type<tc>, window_params = [{transform_indices = @transform_0, window_bounds = array<i64: 512, 32>}, {transform_indices = @transform_1, window_bounds = array<i64: 512, 32>}, {transform_indices = @transform_2, window_bounds = array<i64: 512, 32>}, {pipeline_mode = #tpu.pipeline_mode<synchronous>, transform_indices = @transform_3, window_bounds = array<i64: 32, 8192>}, {pipeline_mode = #tpu.pipeline_mode<synchronous>, transform_indices = @transform_4, window_bounds = array<i64: 1, 8192>}, {transform_indices = @transform_5, window_bounds = array<i64: 512, 1>}, {transform_indices = @transform_6, window_bounds = array<i64: 512, 32>}, {transform_indices = @transform_7, window_bounds = array<i64: 512, 32>}]} {
    %eq3A = arith.constant 0 : i32
    %eq3A_0 = arith.cmpi eq, %arg0, %eq3A : i32
    %convert_element_type3A = arith.extui %eq3A_0 : i1 to i32
    %cond3A = arith.constant 0 : i32
    %cond3A_1 = arith.cmpi ne, %convert_element_type3A, %cond3A : i32
    scf.if %cond3A_1 {
      %broadcast_in_dim3A_34 = arith.constant 0.000000e+00 : f32
      %broadcast_in_dim3A_35 = vector.broadcast %broadcast_in_dim3A_34 : f32 to vector<256x8192xf32>
      %swap3A_36 = arith.constant 0 : index
      %swap3A_37 = arith.constant 0 : index
      %swap3A_38 = vector.load %arg9[%swap3A_36, %swap3A_37] : memref<256x8192xf32, #tpu.memory_space<vmem>>, vector<256x8192xf32>
      tpu.vector_store %arg9[%swap3A_36, %swap3A_37], %broadcast_in_dim3A_35 {strides = array<i32>} : memref<256x8192xf32, #tpu.memory_space<vmem>>, vector<256x8192xf32>,
      %get3A_39 = arith.constant 0 : index
      %get3A_40 = arith.constant 0 : index
      %get3A_41 = vector.load %arg4[%get3A_39, %get3A_40] : memref<32x8192xf32, #tpu.memory_space<vmem>>, vector<32x1024xf32>
      %swap3A_42 = arith.constant 0 : index
      %swap3A_43 = arith.constant 0 : index
      %swap3A_44 = vector.load %arg9[%swap3A_42, %swap3A_43] : memref<256x8192xf32, #tpu.memory_space<vmem>>, vector<32x1024xf32>
      tpu.vector_store %arg9[%swap3A_42, %swap3A_43], %get3A_41 {strides = array<i32>} : memref<256x8192xf32, #tpu.memory_space<vmem>>, vector<32x1024xf32>,
      %get3A_45 = arith.constant 0 : index
      %get3A_46 = arith.constant 1024 : index
      %get3A_47 = vector.load %arg4[%get3A_45, %get3A_46] : memref<32x8192xf32, #tpu.memory_space<vmem>>, vector<32x1024xf32>
      %swap3A_48 = arith.constant 32 : index
      %swap3A_49 = arith.constant 1024 : index
      %swap3A_50 = vector.load %arg9[%swap3A_48, %swap3A_49] : memref<256x8192xf32, #tpu.memory_space<vmem>>, vector<32x1024xf32>
      tpu.vector_store %arg9[%swap3A_48, %swap3A_49], %get3A_47 {strides = array<i32>} : memref<256x8192xf32, #tpu.memory_space<vmem>>, vector<32x1024xf32>,
      %get3A_51 = arith.constant 0 : index
      %get3A_52 = arith.constant 2048 : index
      %get3A_53 = vector.load %arg4[%get3A_51, %get3A_52] : memref<32x8192xf32, #tpu.memory_space<vmem>>, vector<32x1024xf32>
      %swap3A_54 = arith.constant 64 : index
      %swap3A_55 = arith.constant 2048 : index
      %swap3A_56 = vector.load %arg9[%swap3A_54, %swap3A_55] : memref<256x8192xf32, #tpu.memory_space<vmem>>, vector<32x1024xf32>
      tpu.vector_store %arg9[%swap3A_54, %swap3A_55], %get3A_53 {strides = array<i32>} : memref<256x8192xf32, #tpu.memory_space<vmem>>, vector<32x1024xf32>,
      %get3A_57 = arith.constant 0 : index
      %get3A_58 = arith.constant 3072 : index
      %get3A_59 = vector.load %arg4[%get3A_57, %get3A_58] : memref<32x8192xf32, #tpu.memory_space<vmem>>, vector<32x1024xf32>
      %swap3A_60 = arith.constant 96 : index
      %swap3A_61 = arith.constant 3072 : index
      %swap3A_62 = vector.load %arg9[%swap3A_60, %swap3A_61] : memref<256x8192xf32, #tpu.memory_space<vmem>>, vector<32x1024xf32>
      tpu.vector_store %arg9[%swap3A_60, %swap3A_61], %get3A_59 {strides = array<i32>} : memref<256x8192xf32, #tpu.memory_space<vmem>>, vector<32x1024xf32>,
      %get3A_63 = arith.constant 0 : index
      %get3A_64 = arith.constant 4096 : index
      %get3A_65 = vector.load %arg4[%get3A_63, %get3A_64] : memref<32x8192xf32, #tpu.memory_space<vmem>>, vector<32x1024xf32>
      %swap3A_66 = arith.constant 128 : index
      %swap3A_67 = arith.constant 4096 : index
      %swap3A_68 = vector.load %arg9[%swap3A_66, %swap3A_67] : memref<256x8192xf32, #tpu.memory_space<vmem>>, vector<32x1024xf32>
      tpu.vector_store %arg9[%swap3A_66, %swap3A_67], %get3A_65 {strides = array<i32>} : memref<256x8192xf32, #tpu.memory_space<vmem>>, vector<32x1024xf32>,
      %get3A_69 = arith.constant 0 : index
      %get3A_70 = arith.constant 5120 : index
      %get3A_71 = vector.load %arg4[%get3A_69, %get3A_70] : memref<32x8192xf32, #tpu.memory_space<vmem>>, vector<32x1024xf32>
      %swap3A_72 = arith.constant 160 : index
      %swap3A_73 = arith.constant 5120 : index
      %swap3A_74 = vector.load %arg9[%swap3A_72, %swap3A_73] : memref<256x8192xf32, #tpu.memory_space<vmem>>, vector<32x1024xf32>
      tpu.vector_store %arg9[%swap3A_72, %swap3A_73], %get3A_71 {strides = array<i32>} : memref<256x8192xf32, #tpu.memory_space<vmem>>, vector<32x1024xf32>,
      %get3A_75 = arith.constant 0 : index
      %get3A_76 = arith.constant 6144 : index
      %get3A_77 = vector.load %arg4[%get3A_75, %get3A_76] : memref<32x8192xf32, #tpu.memory_space<vmem>>, vector<32x1024xf32>
      %swap3A_78 = arith.constant 192 : index
      %swap3A_79 = arith.constant 6144 : index
      %swap3A_80 = vector.load %arg9[%swap3A_78, %swap3A_79] : memref<256x8192xf32, #tpu.memory_space<vmem>>, vector<32x1024xf32>
      tpu.vector_store %arg9[%swap3A_78, %swap3A_79], %get3A_77 {strides = array<i32>} : memref<256x8192xf32, #tpu.memory_space<vmem>>, vector<32x1024xf32>,
      %get3A_81 = arith.constant 0 : index
      %get3A_82 = arith.constant 7168 : index
      %get3A_83 = vector.load %arg4[%get3A_81, %get3A_82] : memref<32x8192xf32, #tpu.memory_space<vmem>>, vector<32x1024xf32>
      %swap3A_84 = arith.constant 224 : index
      %swap3A_85 = arith.constant 7168 : index
      %swap3A_86 = vector.load %arg9[%swap3A_84, %swap3A_85] : memref<256x8192xf32, #tpu.memory_space<vmem>>, vector<32x1024xf32>
      tpu.vector_store %arg9[%swap3A_84, %swap3A_85], %get3A_83 {strides = array<i32>} : memref<256x8192xf32, #tpu.memory_space<vmem>>, vector<32x1024xf32>,
    } else {
    }
    %get3A = arith.constant 0 : index
    %get3A_2 = arith.constant 0 : index
    %get3A_3 = vector.load %arg2[%get3A, %get3A_2] : memref<512x32xf32, #tpu.memory_space<vmem>>, vector<512x32xf32>
    %get3A_4 = arith.constant 0 : index
    %get3A_5 = arith.constant 0 : index
    %get3A_6 = vector.load %arg1[%get3A_4, %get3A_5] : memref<512x32xf32, #tpu.memory_space<vmem>>, vector<512x32xf32>
    %sub3A = arith.subf %get3A_6, %get3A_3 : vector<512x32xf32>
    %swap3A = arith.constant 0 : index
    %swap3A_7 = arith.constant 0 : index
    %swap3A_8 = vector.load %arg7[%swap3A, %swap3A_7] : memref<512x32xf32, #tpu.memory_space<vmem>>, vector<512x32xf32>
    tpu.vector_store %arg7[%swap3A, %swap3A_7], %sub3A {strides = array<i32>} : memref<512x32xf32, #tpu.memory_space<vmem>>, vector<512x32xf32>,
    %get3A_9 = arith.constant 0 : index
    %get3A_10 = arith.constant 0 : index
    %get3A_11 = vector.load %arg3[%get3A_9, %get3A_10] : memref<512x32xf32, #tpu.memory_space<vmem>>, vector<512x32xf32>
    %add3A = arith.addf %get3A_11, %get3A_3 : vector<512x32xf32>
    %swap3A_12 = arith.constant 0 : index
    %swap3A_13 = arith.constant 0 : index
    %swap3A_14 = vector.load %arg8[%swap3A_12, %swap3A_13] : memref<512x32xf32, #tpu.memory_space<vmem>>, vector<512x32xf32>
    tpu.vector_store %arg8[%swap3A_12, %swap3A_13], %add3A {strides = array<i32>} : memref<512x32xf32, #tpu.memory_space<vmem>>, vector<512x32xf32>,
    %mul3A = arith.mulf %sub3A, %sub3A : vector<512x32xf32>
    %reduce_sum3A = arith.constant dense<0.000000e+00> : vector<512xf32>
    %reduce_sum3A_15 = vector.multi_reduction <add>, %mul3A, %reduce_sum3A [1] : vector<512x32xf32> to vector<512xf32>
    %broadcast_in_dim3A = vector.shape_cast %reduce_sum3A_15 : vector<512xf32> to vector<512x1xf32>
    %add3A_16 = arith.addf %sub3A, %sub3A : vector<512x32xf32>
    %concatenate3A = tpu.concatenate %add3A_16, %add3A_16, %add3A_16, %add3A_16, %add3A_16, %add3A_16, %add3A_16, %add3A_16 in 1 : vector<512x32xf32>, vector<512x32xf32>, vector<512x32xf32>, vector<512x32xf32>, vector<512x32xf32>, vector<512x32xf32>, vector<512x32xf32>, vector<512x32xf32> -> vector<512x256xf32>
    %get3A_17 = arith.constant 0 : index
    %get3A_18 = arith.constant 0 : index
    %get3A_19 = vector.load %arg9[%get3A_17, %get3A_18] : memref<256x8192xf32, #tpu.memory_space<vmem>>, vector<256x8192xf32>
    %dot_general3A = arith.constant dense<0.000000e+00> : vector<512x8192xf32>
    %dot_general3A_20 = tpu.matmul %concatenate3A, %get3A_19, %dot_general3A {dimension_numbers = #tpu.dot_dimension_numbers<[1], [0], [0], [1], [0, 0, 1, 1], [], []>, transpose_lhs_hint = false} : vector<512x256xf32>, vector<256x8192xf32>, vector<512x8192xf32> -> vector<512x8192xf32>
    %get3A_21 = arith.constant 0 : index
    %get3A_22 = arith.constant 0 : index
    %get3A_23 = vector.load %arg5[%get3A_21, %get3A_22] : memref<1x8192xf32, #tpu.memory_space<vmem>>, vector<1x8192xf32>
    %add3A_24 = vector.broadcast %broadcast_in_dim3A : vector<512x1xf32> to vector<512x8192xf32>
    %add3A_25 = vector.broadcast %get3A_23 : vector<1x8192xf32> to vector<512x8192xf32>
    %add3A_26 = arith.addf %add3A_24, %add3A_25 : vector<512x8192xf32>
    %sub3A_27 = arith.subf %add3A_26, %dot_general3A_20 : vector<512x8192xf32>
    %max3A = arith.constant 0.000000e+00 : f32
    %max3A_28 = vector.broadcast %max3A : f32 to vector<512x8192xf32>
    %max3A_29 = arith.maximumf %sub3A_27, %max3A_28 : vector<512x8192xf32>
    %sqrt3A = math.sqrt %max3A_29 : vector<512x8192xf32>
    %argmin3A = tpu.reduce_index %sqrt3A {axis = 1 : i32, kind = #tpu.reduction_kind<arg_min>} : vector<512x8192xf32> -> vector<512xi32>
    %broadcast_in_dim3A_30 = vector.shape_cast %argmin3A : vector<512xi32> to vector<512x1xi32>
    %swap3A_31 = arith.constant 0 : index
    %swap3A_32 = arith.constant 0 : index
    %swap3A_33 = vector.load %arg6[%swap3A_31, %swap3A_32] : memref<512x1xi32, #tpu.memory_space<vmem>>, vector<512x1xi32>
    tpu.vector_store %arg6[%swap3A_31, %swap3A_32], %broadcast_in_dim3A_30 {strides = array<i32>} : memref<512x1xi32, #tpu.memory_space<vmem>>, vector<512x1xi32>,
    return
  }
  func.func @transform_0(%arg0: i32) -> (i32, i32) {
    %c0_i32 = arith.constant 0 : i32
    %c0_i32_0 = arith.constant 0 : i32
    return %arg0, %c0_i32 : i32, i32
  }
  func.func @transform_1(%arg0: i32) -> (i32, i32) {
    %c0_i32 = arith.constant 0 : i32
    %c0_i32_0 = arith.constant 0 : i32
    return %arg0, %c0_i32 : i32, i32
  }
  func.func @transform_2(%arg0: i32) -> (i32, i32) {
    %c0_i32 = arith.constant 0 : i32
    %c0_i32_0 = arith.constant 0 : i32
    return %arg0, %c0_i32 : i32, i32
  }
  func.func @transform_3(%arg0: i32) -> (i32, i32) {
    %c0_i32 = arith.constant 0 : i32
    %c0_i32_0 = arith.constant 0 : i32
    %c0_i32_1 = arith.constant 0 : i32
    return %c0_i32, %c0_i32_0 : i32, i32
  }
  func.func @transform_4(%arg0: i32) -> (i32, i32) {
    %c0_i32 = arith.constant 0 : i32
    %c0_i32_0 = arith.constant 0 : i32
    %c0_i32_1 = arith.constant 0 : i32
    return %c0_i32, %c0_i32_0 : i32, i32
  }
  func.func @transform_5(%arg0: i32) -> (i32, i32) {
    %c0_i32 = arith.constant 0 : i32
    %c0_i32_0 = arith.constant 0 : i32
    return %arg0, %c0_i32 : i32, i32
  }
  func.func @transform_6(%arg0: i32) -> (i32, i32) {
    %c0_i32 = arith.constant 0 : i32
    %c0_i32_0 = arith.constant 0 : i32
    return %arg0, %c0_i32 : i32, i32
  }
  func.func @transform_7(%arg0: i32) -> (i32, i32) {
    %c0_i32 = arith.constant 0 : i32
    %c0_i32_0 = arith.constant 0 : i32
    return %arg0, %c0_i32 : i32, i32
  }
}

module attributes {stable_mosaic.version = 14 : i64} {
  func.func @_stage_kernel(%arg0: i32, %arg1: memref<512x32xf32, #tpu.memory_space<vmem>>, %arg2: memref<512x32xf32, #tpu.memory_space<vmem>>, %arg3: memref<512x32xf32, #tpu.memory_space<vmem>>, %arg4: memref<32x8192xf32, #tpu.memory_space<vmem>>, %arg5: memref<1x8192xf32, #tpu.memory_space<vmem>>, %arg6: memref<512x1xi32, #tpu.memory_space<vmem>>, %arg7: memref<512x32xf32, #tpu.memory_space<vmem>>, %arg8: memref<512x32xf32, #tpu.memory_space<vmem>>, %arg9: memref<256x8192xf32, #tpu.memory_space<vmem>>) attributes {dimension_semantics = [#tpu.dimension_semantics<arbitrary>], iteration_bounds = array<i64: 16>, scalar_prefetch = 0 : i64, scratch_operands = 1 : i64, tpu.core_type = #tpu.core_type<tc>, window_params = [{transform_indices = @transform_0, window_bounds = array<i64: 512, 32>}, {transform_indices = @transform_1, window_bounds = array<i64: 512, 32>}, {transform_indices = @transform_2, window_bounds = array<i64: 512, 32>}, {pipeline_mode = #tpu.pipeline_mode<synchronous>, transform_indices = @transform_3, window_bounds = array<i64: 32, 8192>}, {pipeline_mode = #tpu.pipeline_mode<synchronous>, transform_indices = @transform_4, window_bounds = array<i64: 1, 8192>}, {transform_indices = @transform_5, window_bounds = array<i64: 512, 1>}, {transform_indices = @transform_6, window_bounds = array<i64: 512, 32>}, {transform_indices = @transform_7, window_bounds = array<i64: 512, 32>}]} {
    %eq3A = arith.constant 0 : i32
    %eq3A_0 = arith.cmpi eq, %arg0, %eq3A : i32
    %convert_element_type3A = arith.extui %eq3A_0 : i1 to i32
    %cond3A = arith.constant 0 : i32
    %cond3A_1 = arith.cmpi ne, %convert_element_type3A, %cond3A : i32
    scf.if %cond3A_1 {
      %broadcast_in_dim3A_34 = arith.constant 0.000000e+00 : f32
      %broadcast_in_dim3A_35 = vector.broadcast %broadcast_in_dim3A_34 : f32 to vector<256x8192xf32>
      %swap3A_36 = arith.constant 0 : index
      %swap3A_37 = arith.constant 0 : index
      %swap3A_38 = vector.load %arg9[%swap3A_36, %swap3A_37] : memref<256x8192xf32, #tpu.memory_space<vmem>>, vector<256x8192xf32>
      tpu.vector_store %arg9[%swap3A_36, %swap3A_37], %broadcast_in_dim3A_35 {strides = array<i32>} : memref<256x8192xf32, #tpu.memory_space<vmem>>, vector<256x8192xf32>,
      %get3A_39 = arith.constant 0 : index
      %get3A_40 = arith.constant 0 : index
      %get3A_41 = vector.load %arg4[%get3A_39, %get3A_40] : memref<32x8192xf32, #tpu.memory_space<vmem>>, vector<32x1024xf32>
      %swap3A_42 = arith.constant 0 : index
      %swap3A_43 = arith.constant 0 : index
      %swap3A_44 = vector.load %arg9[%swap3A_42, %swap3A_43] : memref<256x8192xf32, #tpu.memory_space<vmem>>, vector<32x1024xf32>
      tpu.vector_store %arg9[%swap3A_42, %swap3A_43], %get3A_41 {strides = array<i32>} : memref<256x8192xf32, #tpu.memory_space<vmem>>, vector<32x1024xf32>,
      %get3A_45 = arith.constant 0 : index
      %get3A_46 = arith.constant 1024 : index
      %get3A_47 = vector.load %arg4[%get3A_45, %get3A_46] : memref<32x8192xf32, #tpu.memory_space<vmem>>, vector<32x1024xf32>
      %swap3A_48 = arith.constant 32 : index
      %swap3A_49 = arith.constant 1024 : index
      %swap3A_50 = vector.load %arg9[%swap3A_48, %swap3A_49] : memref<256x8192xf32, #tpu.memory_space<vmem>>, vector<32x1024xf32>
      tpu.vector_store %arg9[%swap3A_48, %swap3A_49], %get3A_47 {strides = array<i32>} : memref<256x8192xf32, #tpu.memory_space<vmem>>, vector<32x1024xf32>,
      %get3A_51 = arith.constant 0 : index
      %get3A_52 = arith.constant 2048 : index
      %get3A_53 = vector.load %arg4[%get3A_51, %get3A_52] : memref<32x8192xf32, #tpu.memory_space<vmem>>, vector<32x1024xf32>
      %swap3A_54 = arith.constant 64 : index
      %swap3A_55 = arith.constant 2048 : index
      %swap3A_56 = vector.load %arg9[%swap3A_54, %swap3A_55] : memref<256x8192xf32, #tpu.memory_space<vmem>>, vector<32x1024xf32>
      tpu.vector_store %arg9[%swap3A_54, %swap3A_55], %get3A_53 {strides = array<i32>} : memref<256x8192xf32, #tpu.memory_space<vmem>>, vector<32x1024xf32>,
      %get3A_57 = arith.constant 0 : index
      %get3A_58 = arith.constant 3072 : index
      %get3A_59 = vector.load %arg4[%get3A_57, %get3A_58] : memref<32x8192xf32, #tpu.memory_space<vmem>>, vector<32x1024xf32>
      %swap3A_60 = arith.constant 96 : index
      %swap3A_61 = arith.constant 3072 : index
      %swap3A_62 = vector.load %arg9[%swap3A_60, %swap3A_61] : memref<256x8192xf32, #tpu.memory_space<vmem>>, vector<32x1024xf32>
      tpu.vector_store %arg9[%swap3A_60, %swap3A_61], %get3A_59 {strides = array<i32>} : memref<256x8192xf32, #tpu.memory_space<vmem>>, vector<32x1024xf32>,
      %get3A_63 = arith.constant 0 : index
      %get3A_64 = arith.constant 4096 : index
      %get3A_65 = vector.load %arg4[%get3A_63, %get3A_64] : memref<32x8192xf32, #tpu.memory_space<vmem>>, vector<32x1024xf32>
      %swap3A_66 = arith.constant 128 : index
      %swap3A_67 = arith.constant 4096 : index
      %swap3A_68 = vector.load %arg9[%swap3A_66, %swap3A_67] : memref<256x8192xf32, #tpu.memory_space<vmem>>, vector<32x1024xf32>
      tpu.vector_store %arg9[%swap3A_66, %swap3A_67], %get3A_65 {strides = array<i32>} : memref<256x8192xf32, #tpu.memory_space<vmem>>, vector<32x1024xf32>,
      %get3A_69 = arith.constant 0 : index
      %get3A_70 = arith.constant 5120 : index
      %get3A_71 = vector.load %arg4[%get3A_69, %get3A_70] : memref<32x8192xf32, #tpu.memory_space<vmem>>, vector<32x1024xf32>
      %swap3A_72 = arith.constant 160 : index
      %swap3A_73 = arith.constant 5120 : index
      %swap3A_74 = vector.load %arg9[%swap3A_72, %swap3A_73] : memref<256x8192xf32, #tpu.memory_space<vmem>>, vector<32x1024xf32>
      tpu.vector_store %arg9[%swap3A_72, %swap3A_73], %get3A_71 {strides = array<i32>} : memref<256x8192xf32, #tpu.memory_space<vmem>>, vector<32x1024xf32>,
      %get3A_75 = arith.constant 0 : index
      %get3A_76 = arith.constant 6144 : index
      %get3A_77 = vector.load %arg4[%get3A_75, %get3A_76] : memref<32x8192xf32, #tpu.memory_space<vmem>>, vector<32x1024xf32>
      %swap3A_78 = arith.constant 192 : index
      %swap3A_79 = arith.constant 6144 : index
      %swap3A_80 = vector.load %arg9[%swap3A_78, %swap3A_79] : memref<256x8192xf32, #tpu.memory_space<vmem>>, vector<32x1024xf32>
      tpu.vector_store %arg9[%swap3A_78, %swap3A_79], %get3A_77 {strides = array<i32>} : memref<256x8192xf32, #tpu.memory_space<vmem>>, vector<32x1024xf32>,
      %get3A_81 = arith.constant 0 : index
      %get3A_82 = arith.constant 7168 : index
      %get3A_83 = vector.load %arg4[%get3A_81, %get3A_82] : memref<32x8192xf32, #tpu.memory_space<vmem>>, vector<32x1024xf32>
      %swap3A_84 = arith.constant 224 : index
      %swap3A_85 = arith.constant 7168 : index
      %swap3A_86 = vector.load %arg9[%swap3A_84, %swap3A_85] : memref<256x8192xf32, #tpu.memory_space<vmem>>, vector<32x1024xf32>
      tpu.vector_store %arg9[%swap3A_84, %swap3A_85], %get3A_83 {strides = array<i32>} : memref<256x8192xf32, #tpu.memory_space<vmem>>, vector<32x1024xf32>,
    } else {
    }
    %get3A = arith.constant 0 : index
    %get3A_2 = arith.constant 0 : index
    %get3A_3 = vector.load %arg2[%get3A, %get3A_2] : memref<512x32xf32, #tpu.memory_space<vmem>>, vector<512x32xf32>
    %get3A_4 = arith.constant 0 : index
    %get3A_5 = arith.constant 0 : index
    %get3A_6 = vector.load %arg1[%get3A_4, %get3A_5] : memref<512x32xf32, #tpu.memory_space<vmem>>, vector<512x32xf32>
    %sub3A = arith.subf %get3A_6, %get3A_3 : vector<512x32xf32>
    %swap3A = arith.constant 0 : index
    %swap3A_7 = arith.constant 0 : index
    %swap3A_8 = vector.load %arg7[%swap3A, %swap3A_7] : memref<512x32xf32, #tpu.memory_space<vmem>>, vector<512x32xf32>
    tpu.vector_store %arg7[%swap3A, %swap3A_7], %sub3A {strides = array<i32>} : memref<512x32xf32, #tpu.memory_space<vmem>>, vector<512x32xf32>,
    %get3A_9 = arith.constant 0 : index
    %get3A_10 = arith.constant 0 : index
    %get3A_11 = vector.load %arg3[%get3A_9, %get3A_10] : memref<512x32xf32, #tpu.memory_space<vmem>>, vector<512x32xf32>
    %add3A = arith.addf %get3A_11, %get3A_3 : vector<512x32xf32>
    %swap3A_12 = arith.constant 0 : index
    %swap3A_13 = arith.constant 0 : index
    %swap3A_14 = vector.load %arg8[%swap3A_12, %swap3A_13] : memref<512x32xf32, #tpu.memory_space<vmem>>, vector<512x32xf32>
    tpu.vector_store %arg8[%swap3A_12, %swap3A_13], %add3A {strides = array<i32>} : memref<512x32xf32, #tpu.memory_space<vmem>>, vector<512x32xf32>,
    %mul3A = arith.mulf %sub3A, %sub3A : vector<512x32xf32>
    %reduce_sum3A = arith.constant dense<0.000000e+00> : vector<512xf32>
    %reduce_sum3A_15 = vector.multi_reduction <add>, %mul3A, %reduce_sum3A [1] : vector<512x32xf32> to vector<512xf32>
    %broadcast_in_dim3A = vector.shape_cast %reduce_sum3A_15 : vector<512xf32> to vector<512x1xf32>
    %add3A_16 = arith.addf %sub3A, %sub3A : vector<512x32xf32>
    %concatenate3A = tpu.concatenate %add3A_16, %add3A_16, %add3A_16, %add3A_16, %add3A_16, %add3A_16, %add3A_16, %add3A_16 in 1 : vector<512x32xf32>, vector<512x32xf32>, vector<512x32xf32>, vector<512x32xf32>, vector<512x32xf32>, vector<512x32xf32>, vector<512x32xf32>, vector<512x32xf32> -> vector<512x256xf32>
    %get3A_17 = arith.constant 0 : index
    %get3A_18 = arith.constant 0 : index
    %get3A_19 = vector.load %arg9[%get3A_17, %get3A_18] : memref<256x8192xf32, #tpu.memory_space<vmem>>, vector<256x8192xf32>
    %dot_general3A = arith.constant dense<0.000000e+00> : vector<512x8192xf32>
    %dot_general3A_20 = tpu.matmul %concatenate3A, %get3A_19, %dot_general3A {dimension_numbers = #tpu.dot_dimension_numbers<[1], [0], [0], [1], [0, 0, 1, 1], [], []>, transpose_lhs_hint = false} : vector<512x256xf32>, vector<256x8192xf32>, vector<512x8192xf32> -> vector<512x8192xf32>
    %get3A_21 = arith.constant 0 : index
    %get3A_22 = arith.constant 0 : index
    %get3A_23 = vector.load %arg5[%get3A_21, %get3A_22] : memref<1x8192xf32, #tpu.memory_space<vmem>>, vector<1x8192xf32>
    %add3A_24 = vector.broadcast %broadcast_in_dim3A : vector<512x1xf32> to vector<512x8192xf32>
    %add3A_25 = vector.broadcast %get3A_23 : vector<1x8192xf32> to vector<512x8192xf32>
    %add3A_26 = arith.addf %add3A_24, %add3A_25 : vector<512x8192xf32>
    %sub3A_27 = arith.subf %add3A_26, %dot_general3A_20 : vector<512x8192xf32>
    %max3A = arith.constant 0.000000e+00 : f32
    %max3A_28 = vector.broadcast %max3A : f32 to vector<512x8192xf32>
    %max3A_29 = arith.maximumf %sub3A_27, %max3A_28 : vector<512x8192xf32>
    %sqrt3A = math.sqrt %max3A_29 : vector<512x8192xf32>
    %argmin3A = tpu.reduce_index %sqrt3A {axis = 1 : i32, kind = #tpu.reduction_kind<arg_min>} : vector<512x8192xf32> -> vector<512xi32>
    %broadcast_in_dim3A_30 = vector.shape_cast %argmin3A : vector<512xi32> to vector<512x1xi32>
    %swap3A_31 = arith.constant 0 : index
    %swap3A_32 = arith.constant 0 : index
    %swap3A_33 = vector.load %arg6[%swap3A_31, %swap3A_32] : memref<512x1xi32, #tpu.memory_space<vmem>>, vector<512x1xi32>
    tpu.vector_store %arg6[%swap3A_31, %swap3A_32], %broadcast_in_dim3A_30 {strides = array<i32>} : memref<512x1xi32, #tpu.memory_space<vmem>>, vector<512x1xi32>,
    return
  }
  func.func @transform_0(%arg0: i32) -> (i32, i32) {
    %c0_i32 = arith.constant 0 : i32
    %c0_i32_0 = arith.constant 0 : i32
    return %arg0, %c0_i32 : i32, i32
  }
  func.func @transform_1(%arg0: i32) -> (i32, i32) {
    %c0_i32 = arith.constant 0 : i32
    %c0_i32_0 = arith.constant 0 : i32
    return %arg0, %c0_i32 : i32, i32
  }
  func.func @transform_2(%arg0: i32) -> (i32, i32) {
    %c0_i32 = arith.constant 0 : i32
    %c0_i32_0 = arith.constant 0 : i32
    return %arg0, %c0_i32 : i32, i32
  }
  func.func @transform_3(%arg0: i32) -> (i32, i32) {
    %c0_i32 = arith.constant 0 : i32
    %c0_i32_0 = arith.constant 0 : i32
    %c0_i32_1 = arith.constant 0 : i32
    return %c0_i32, %c0_i32_0 : i32, i32
  }
  func.func @transform_4(%arg0: i32) -> (i32, i32) {
    %c0_i32 = arith.constant 0 : i32
    %c0_i32_0 = arith.constant 0 : i32
    %c0_i32_1 = arith.constant 0 : i32
    return %c0_i32, %c0_i32_0 : i32, i32
  }
  func.func @transform_5(%arg0: i32) -> (i32, i32) {
    %c0_i32 = arith.constant 0 : i32
    %c0_i32_0 = arith.constant 0 : i32
    return %arg0, %c0_i32 : i32, i32
  }
  func.func @transform_6(%arg0: i32) -> (i32, i32) {
    %c0_i32 = arith.constant 0 : i32
    %c0_i32_0 = arith.constant 0 : i32
    return %arg0, %c0_i32 : i32, i32
  }
  func.func @transform_7(%arg0: i32) -> (i32, i32) {
    %c0_i32 = arith.constant 0 : i32
    %c0_i32_0 = arith.constant 0 : i32
    return %arg0, %c0_i32 : i32, i32
  }
}

module attributes {stable_mosaic.version = 14 : i64} {
  func.func @_stage_kernel(%arg0: i32, %arg1: memref<512x32xf32, #tpu.memory_space<vmem>>, %arg2: memref<512x32xf32, #tpu.memory_space<vmem>>, %arg3: memref<512x32xf32, #tpu.memory_space<vmem>>, %arg4: memref<32x8192xf32, #tpu.memory_space<vmem>>, %arg5: memref<1x8192xf32, #tpu.memory_space<vmem>>, %arg6: memref<512x1xi32, #tpu.memory_space<vmem>>, %arg7: memref<512x32xf32, #tpu.memory_space<vmem>>, %arg8: memref<512x32xf32, #tpu.memory_space<vmem>>, %arg9: memref<256x8192xf32, #tpu.memory_space<vmem>>) attributes {dimension_semantics = [#tpu.dimension_semantics<arbitrary>], iteration_bounds = array<i64: 16>, scalar_prefetch = 0 : i64, scratch_operands = 1 : i64, tpu.core_type = #tpu.core_type<tc>, window_params = [{transform_indices = @transform_0, window_bounds = array<i64: 512, 32>}, {transform_indices = @transform_1, window_bounds = array<i64: 512, 32>}, {transform_indices = @transform_2, window_bounds = array<i64: 512, 32>}, {pipeline_mode = #tpu.pipeline_mode<synchronous>, transform_indices = @transform_3, window_bounds = array<i64: 32, 8192>}, {pipeline_mode = #tpu.pipeline_mode<synchronous>, transform_indices = @transform_4, window_bounds = array<i64: 1, 8192>}, {transform_indices = @transform_5, window_bounds = array<i64: 512, 1>}, {transform_indices = @transform_6, window_bounds = array<i64: 512, 32>}, {transform_indices = @transform_7, window_bounds = array<i64: 512, 32>}]} {
    %eq3A = arith.constant 0 : i32
    %eq3A_0 = arith.cmpi eq, %arg0, %eq3A : i32
    %convert_element_type3A = arith.extui %eq3A_0 : i1 to i32
    %cond3A = arith.constant 0 : i32
    %cond3A_1 = arith.cmpi ne, %convert_element_type3A, %cond3A : i32
    scf.if %cond3A_1 {
      %broadcast_in_dim3A_34 = arith.constant 0.000000e+00 : f32
      %broadcast_in_dim3A_35 = vector.broadcast %broadcast_in_dim3A_34 : f32 to vector<256x8192xf32>
      %swap3A_36 = arith.constant 0 : index
      %swap3A_37 = arith.constant 0 : index
      %swap3A_38 = vector.load %arg9[%swap3A_36, %swap3A_37] : memref<256x8192xf32, #tpu.memory_space<vmem>>, vector<256x8192xf32>
      tpu.vector_store %arg9[%swap3A_36, %swap3A_37], %broadcast_in_dim3A_35 {strides = array<i32>} : memref<256x8192xf32, #tpu.memory_space<vmem>>, vector<256x8192xf32>,
      %get3A_39 = arith.constant 0 : index
      %get3A_40 = arith.constant 0 : index
      %get3A_41 = vector.load %arg4[%get3A_39, %get3A_40] : memref<32x8192xf32, #tpu.memory_space<vmem>>, vector<32x1024xf32>
      %swap3A_42 = arith.constant 0 : index
      %swap3A_43 = arith.constant 0 : index
      %swap3A_44 = vector.load %arg9[%swap3A_42, %swap3A_43] : memref<256x8192xf32, #tpu.memory_space<vmem>>, vector<32x1024xf32>
      tpu.vector_store %arg9[%swap3A_42, %swap3A_43], %get3A_41 {strides = array<i32>} : memref<256x8192xf32, #tpu.memory_space<vmem>>, vector<32x1024xf32>,
      %get3A_45 = arith.constant 0 : index
      %get3A_46 = arith.constant 1024 : index
      %get3A_47 = vector.load %arg4[%get3A_45, %get3A_46] : memref<32x8192xf32, #tpu.memory_space<vmem>>, vector<32x1024xf32>
      %swap3A_48 = arith.constant 32 : index
      %swap3A_49 = arith.constant 1024 : index
      %swap3A_50 = vector.load %arg9[%swap3A_48, %swap3A_49] : memref<256x8192xf32, #tpu.memory_space<vmem>>, vector<32x1024xf32>
      tpu.vector_store %arg9[%swap3A_48, %swap3A_49], %get3A_47 {strides = array<i32>} : memref<256x8192xf32, #tpu.memory_space<vmem>>, vector<32x1024xf32>,
      %get3A_51 = arith.constant 0 : index
      %get3A_52 = arith.constant 2048 : index
      %get3A_53 = vector.load %arg4[%get3A_51, %get3A_52] : memref<32x8192xf32, #tpu.memory_space<vmem>>, vector<32x1024xf32>
      %swap3A_54 = arith.constant 64 : index
      %swap3A_55 = arith.constant 2048 : index
      %swap3A_56 = vector.load %arg9[%swap3A_54, %swap3A_55] : memref<256x8192xf32, #tpu.memory_space<vmem>>, vector<32x1024xf32>
      tpu.vector_store %arg9[%swap3A_54, %swap3A_55], %get3A_53 {strides = array<i32>} : memref<256x8192xf32, #tpu.memory_space<vmem>>, vector<32x1024xf32>,
      %get3A_57 = arith.constant 0 : index
      %get3A_58 = arith.constant 3072 : index
      %get3A_59 = vector.load %arg4[%get3A_57, %get3A_58] : memref<32x8192xf32, #tpu.memory_space<vmem>>, vector<32x1024xf32>
      %swap3A_60 = arith.constant 96 : index
      %swap3A_61 = arith.constant 3072 : index
      %swap3A_62 = vector.load %arg9[%swap3A_60, %swap3A_61] : memref<256x8192xf32, #tpu.memory_space<vmem>>, vector<32x1024xf32>
      tpu.vector_store %arg9[%swap3A_60, %swap3A_61], %get3A_59 {strides = array<i32>} : memref<256x8192xf32, #tpu.memory_space<vmem>>, vector<32x1024xf32>,
      %get3A_63 = arith.constant 0 : index
      %get3A_64 = arith.constant 4096 : index
      %get3A_65 = vector.load %arg4[%get3A_63, %get3A_64] : memref<32x8192xf32, #tpu.memory_space<vmem>>, vector<32x1024xf32>
      %swap3A_66 = arith.constant 128 : index
      %swap3A_67 = arith.constant 4096 : index
      %swap3A_68 = vector.load %arg9[%swap3A_66, %swap3A_67] : memref<256x8192xf32, #tpu.memory_space<vmem>>, vector<32x1024xf32>
      tpu.vector_store %arg9[%swap3A_66, %swap3A_67], %get3A_65 {strides = array<i32>} : memref<256x8192xf32, #tpu.memory_space<vmem>>, vector<32x1024xf32>,
      %get3A_69 = arith.constant 0 : index
      %get3A_70 = arith.constant 5120 : index
      %get3A_71 = vector.load %arg4[%get3A_69, %get3A_70] : memref<32x8192xf32, #tpu.memory_space<vmem>>, vector<32x1024xf32>
      %swap3A_72 = arith.constant 160 : index
      %swap3A_73 = arith.constant 5120 : index
      %swap3A_74 = vector.load %arg9[%swap3A_72, %swap3A_73] : memref<256x8192xf32, #tpu.memory_space<vmem>>, vector<32x1024xf32>
      tpu.vector_store %arg9[%swap3A_72, %swap3A_73], %get3A_71 {strides = array<i32>} : memref<256x8192xf32, #tpu.memory_space<vmem>>, vector<32x1024xf32>,
      %get3A_75 = arith.constant 0 : index
      %get3A_76 = arith.constant 6144 : index
      %get3A_77 = vector.load %arg4[%get3A_75, %get3A_76] : memref<32x8192xf32, #tpu.memory_space<vmem>>, vector<32x1024xf32>
      %swap3A_78 = arith.constant 192 : index
      %swap3A_79 = arith.constant 6144 : index
      %swap3A_80 = vector.load %arg9[%swap3A_78, %swap3A_79] : memref<256x8192xf32, #tpu.memory_space<vmem>>, vector<32x1024xf32>
      tpu.vector_store %arg9[%swap3A_78, %swap3A_79], %get3A_77 {strides = array<i32>} : memref<256x8192xf32, #tpu.memory_space<vmem>>, vector<32x1024xf32>,
      %get3A_81 = arith.constant 0 : index
      %get3A_82 = arith.constant 7168 : index
      %get3A_83 = vector.load %arg4[%get3A_81, %get3A_82] : memref<32x8192xf32, #tpu.memory_space<vmem>>, vector<32x1024xf32>
      %swap3A_84 = arith.constant 224 : index
      %swap3A_85 = arith.constant 7168 : index
      %swap3A_86 = vector.load %arg9[%swap3A_84, %swap3A_85] : memref<256x8192xf32, #tpu.memory_space<vmem>>, vector<32x1024xf32>
      tpu.vector_store %arg9[%swap3A_84, %swap3A_85], %get3A_83 {strides = array<i32>} : memref<256x8192xf32, #tpu.memory_space<vmem>>, vector<32x1024xf32>,
    } else {
    }
    %get3A = arith.constant 0 : index
    %get3A_2 = arith.constant 0 : index
    %get3A_3 = vector.load %arg2[%get3A, %get3A_2] : memref<512x32xf32, #tpu.memory_space<vmem>>, vector<512x32xf32>
    %get3A_4 = arith.constant 0 : index
    %get3A_5 = arith.constant 0 : index
    %get3A_6 = vector.load %arg1[%get3A_4, %get3A_5] : memref<512x32xf32, #tpu.memory_space<vmem>>, vector<512x32xf32>
    %sub3A = arith.subf %get3A_6, %get3A_3 : vector<512x32xf32>
    %swap3A = arith.constant 0 : index
    %swap3A_7 = arith.constant 0 : index
    %swap3A_8 = vector.load %arg7[%swap3A, %swap3A_7] : memref<512x32xf32, #tpu.memory_space<vmem>>, vector<512x32xf32>
    tpu.vector_store %arg7[%swap3A, %swap3A_7], %sub3A {strides = array<i32>} : memref<512x32xf32, #tpu.memory_space<vmem>>, vector<512x32xf32>,
    %get3A_9 = arith.constant 0 : index
    %get3A_10 = arith.constant 0 : index
    %get3A_11 = vector.load %arg3[%get3A_9, %get3A_10] : memref<512x32xf32, #tpu.memory_space<vmem>>, vector<512x32xf32>
    %add3A = arith.addf %get3A_11, %get3A_3 : vector<512x32xf32>
    %swap3A_12 = arith.constant 0 : index
    %swap3A_13 = arith.constant 0 : index
    %swap3A_14 = vector.load %arg8[%swap3A_12, %swap3A_13] : memref<512x32xf32, #tpu.memory_space<vmem>>, vector<512x32xf32>
    tpu.vector_store %arg8[%swap3A_12, %swap3A_13], %add3A {strides = array<i32>} : memref<512x32xf32, #tpu.memory_space<vmem>>, vector<512x32xf32>,
    %mul3A = arith.mulf %sub3A, %sub3A : vector<512x32xf32>
    %reduce_sum3A = arith.constant dense<0.000000e+00> : vector<512xf32>
    %reduce_sum3A_15 = vector.multi_reduction <add>, %mul3A, %reduce_sum3A [1] : vector<512x32xf32> to vector<512xf32>
    %broadcast_in_dim3A = vector.shape_cast %reduce_sum3A_15 : vector<512xf32> to vector<512x1xf32>
    %add3A_16 = arith.addf %sub3A, %sub3A : vector<512x32xf32>
    %concatenate3A = tpu.concatenate %add3A_16, %add3A_16, %add3A_16, %add3A_16, %add3A_16, %add3A_16, %add3A_16, %add3A_16 in 1 : vector<512x32xf32>, vector<512x32xf32>, vector<512x32xf32>, vector<512x32xf32>, vector<512x32xf32>, vector<512x32xf32>, vector<512x32xf32>, vector<512x32xf32> -> vector<512x256xf32>
    %get3A_17 = arith.constant 0 : index
    %get3A_18 = arith.constant 0 : index
    %get3A_19 = vector.load %arg9[%get3A_17, %get3A_18] : memref<256x8192xf32, #tpu.memory_space<vmem>>, vector<256x8192xf32>
    %dot_general3A = arith.constant dense<0.000000e+00> : vector<512x8192xf32>
    %dot_general3A_20 = tpu.matmul %concatenate3A, %get3A_19, %dot_general3A {dimension_numbers = #tpu.dot_dimension_numbers<[1], [0], [0], [1], [0, 0, 1, 1], [], []>, transpose_lhs_hint = false} : vector<512x256xf32>, vector<256x8192xf32>, vector<512x8192xf32> -> vector<512x8192xf32>
    %get3A_21 = arith.constant 0 : index
    %get3A_22 = arith.constant 0 : index
    %get3A_23 = vector.load %arg5[%get3A_21, %get3A_22] : memref<1x8192xf32, #tpu.memory_space<vmem>>, vector<1x8192xf32>
    %add3A_24 = vector.broadcast %broadcast_in_dim3A : vector<512x1xf32> to vector<512x8192xf32>
    %add3A_25 = vector.broadcast %get3A_23 : vector<1x8192xf32> to vector<512x8192xf32>
    %add3A_26 = arith.addf %add3A_24, %add3A_25 : vector<512x8192xf32>
    %sub3A_27 = arith.subf %add3A_26, %dot_general3A_20 : vector<512x8192xf32>
    %max3A = arith.constant 0.000000e+00 : f32
    %max3A_28 = vector.broadcast %max3A : f32 to vector<512x8192xf32>
    %max3A_29 = arith.maximumf %sub3A_27, %max3A_28 : vector<512x8192xf32>
    %sqrt3A = math.sqrt %max3A_29 : vector<512x8192xf32>
    %argmin3A = tpu.reduce_index %sqrt3A {axis = 1 : i32, kind = #tpu.reduction_kind<arg_min>} : vector<512x8192xf32> -> vector<512xi32>
    %broadcast_in_dim3A_30 = vector.shape_cast %argmin3A : vector<512xi32> to vector<512x1xi32>
    %swap3A_31 = arith.constant 0 : index
    %swap3A_32 = arith.constant 0 : index
    %swap3A_33 = vector.load %arg6[%swap3A_31, %swap3A_32] : memref<512x1xi32, #tpu.memory_space<vmem>>, vector<512x1xi32>
    tpu.vector_store %arg6[%swap3A_31, %swap3A_32], %broadcast_in_dim3A_30 {strides = array<i32>} : memref<512x1xi32, #tpu.memory_space<vmem>>, vector<512x1xi32>,
    return
  }
  func.func @transform_0(%arg0: i32) -> (i32, i32) {
    %c0_i32 = arith.constant 0 : i32
    %c0_i32_0 = arith.constant 0 : i32
    return %arg0, %c0_i32 : i32, i32
  }
  func.func @transform_1(%arg0: i32) -> (i32, i32) {
    %c0_i32 = arith.constant 0 : i32
    %c0_i32_0 = arith.constant 0 : i32
    return %arg0, %c0_i32 : i32, i32
  }
  func.func @transform_2(%arg0: i32) -> (i32, i32) {
    %c0_i32 = arith.constant 0 : i32
    %c0_i32_0 = arith.constant 0 : i32
    return %arg0, %c0_i32 : i32, i32
  }
  func.func @transform_3(%arg0: i32) -> (i32, i32) {
    %c0_i32 = arith.constant 0 : i32
    %c0_i32_0 = arith.constant 0 : i32
    %c0_i32_1 = arith.constant 0 : i32
    return %c0_i32, %c0_i32_0 : i32, i32
  }
  func.func @transform_4(%arg0: i32) -> (i32, i32) {
    %c0_i32 = arith.constant 0 : i32
    %c0_i32_0 = arith.constant 0 : i32
    %c0_i32_1 = arith.constant 0 : i32
    return %c0_i32, %c0_i32_0 : i32, i32
  }
  func.func @transform_5(%arg0: i32) -> (i32, i32) {
    %c0_i32 = arith.constant 0 : i32
    %c0_i32_0 = arith.constant 0 : i32
    return %arg0, %c0_i32 : i32, i32
  }
  func.func @transform_6(%arg0: i32) -> (i32, i32) {
    %c0_i32 = arith.constant 0 : i32
    %c0_i32_0 = arith.constant 0 : i32
    return %arg0, %c0_i32 : i32, i32
  }
  func.func @transform_7(%arg0: i32) -> (i32, i32) {
    %c0_i32 = arith.constant 0 : i32
    %c0_i32_0 = arith.constant 0 : i32
    return %arg0, %c0_i32 : i32, i32
  }
}

module attributes {stable_mosaic.version = 14 : i64} {
  func.func @_final_add_kernel(%arg0: memref<8192x32xf32, #tpu.memory_space<vmem>>, %arg1: memref<8192x32xf32, #tpu.memory_space<vmem>>, %arg2: memref<8192x32xf32, #tpu.memory_space<vmem>>) attributes {dimension_semantics = [], scalar_prefetch = 0 : i64, scratch_operands = 0 : i64, tpu.core_type = #tpu.core_type<tc>} {
    %get3A = arith.constant 0 : index
    %get3A_0 = arith.constant 0 : index
    %get3A_1 = vector.load %arg0[%get3A, %get3A_0] : memref<8192x32xf32, #tpu.memory_space<vmem>>, vector<8192x32xf32>
    %get3A_2 = arith.constant 0 : index
    %get3A_3 = arith.constant 0 : index
    %get3A_4 = vector.load %arg1[%get3A_2, %get3A_3] : memref<8192x32xf32, #tpu.memory_space<vmem>>, vector<8192x32xf32>
    %add3A = arith.addf %get3A_1, %get3A_4 : vector<8192x32xf32>
    %swap3A = arith.constant 0 : index
    %swap3A_5 = arith.constant 0 : index
    %swap3A_6 = vector.load %arg2[%swap3A, %swap3A_5] : memref<8192x32xf32, #tpu.memory_space<vmem>>, vector<8192x32xf32>
    tpu.vector_store %arg2[%swap3A, %swap3A_5], %add3A {strides = array<i32>} : memref<8192x32xf32, #tpu.memory_space<vmem>>, vector<8192x32xf32>,
    return
  }
}

</mosaic_0001>

<sc_bundles>
// kernel: kernel.19.cloned.1.call-start
scs
__scs_entry_jumppad:
0x0: {  	(pc) =	sbr.rel $0x88, $3  }
0x1: {  	(tag) =	ssettag $0x0;
	lr =	simm.s32 $0x1  }
0x2: {  	[smem:$0x3F9F] =	sst lr;
	_ =	strace $0xD0000000  }
0x3: {  	_ = 	snop  }
0x4: {  	_ = 	snop  }
0x5: {  	_ = 	snop  }
0x6: {  	_ = 	snop  }
0x7: {  	_ = 	snop  }
__scs_overlays_trampoline_lowered:
0x8: {  	[smem:$0x3FAE] =	sst s0  }
0x9: {  	[smem:$0x3FAF] =	sst s1  }
0xa: {  	[smem:$0x3FB0] =	sst s2  }
0xb: {  	[smem:$0x3FB1] =	sst s3  }
0xc: {  	[smem:$0x3FB2] =	sst s4  }
0xd: {  	[smem:$0x3FB3] =	sst s5  }
0xe: {  	[smem:$0x3FB4] =	sst s6  }
0xf: {  	[smem:$0x3FB5] =	sst s7  }
0x10: {  	[smem:$0x3FB6] =	sst s8  }
0x11: {  	[smem:$0x3FB7] =	sst s9;
	s0 =	simm.s32 @!p0 $0x0  }
0x12: {  	s1 =	sld [smem:$0x3F9D];
	s0 =	simm.s32 @p0 $0x1  }
0x13: {  	[smem:$0x3FB8] =	sst s0;
	s0 =	simm.s32 @!p1 $0x0  }
0x14: {  	s2 =	sld [smem:$0x3F9C];
	s0 =	simm.s32 @p1 $0x1  }
0x15: {  	[smem:$0x3FB9] =	sst s0;
	s0 =	simm.s32 @!p2 $0x0  }
0x16: {  	s3 =	sld [smem:$0x3FDB];
	s0 =	simm.s32 @p2 $0x1  }
0x17: {  	s4 =	simm.s32 $0x1BF5;
	[smem:$0x3FBB] =	sst s0  }
0x18: {  	s0 =	sld [smem:$0x3F9E];
	_ =	swait.ge [sflag:s4], $0x0  }
0x19: {  	s7 =	sld [smem:$0x3F9F]  }
0x1a: {  	s8 =	sadd.s32 $0xFFFFE003, lr  }
0x1b: {  	s9 =	sadd.s32 $0xFFFFFEF7, lr;
	s5 =	simm.s32 $0xFFFFFFFF;
	p2 =	slt.u32 s8, $0xFFFFF086  }
0x1c: {  	p1 =	slt.u32 s9, $0xF7A;
	s5 =	simm.s32 @!p2 $0x0  }
0x1d: {  	s5 =	simm.s32 @p1 $0x1;
	p0 =	seq.s32 s7, s2  }
0x1e: {  	s7 =	smul.u32 @!p0 $0xF7A, s2;
	p2 =	seq.s32 @!p0 s5, $0x0  }
0x1f: {  	s9 =	smul.u32 $0xF7A, s1;
	s8 =	simm.s32 @!p0 $0x1BF5;
	p2 =	por !p2, p0  }
0x20: {  	[sflag:s8] =	ssyncset.s32 @!p0 $0xFFFFF086;
	s6 =	sadd.s32 @!p0 s3, s7;
	s7 =	simm.s32 @!p0 $0x108  }
0x21: {  	s3 =	sadd.s32 s3, s9;
	s6 =	sadd.s32 @!p0 $0x88, s6;
	s7 =	simm.s32 @p2 $0x1082  }
0x22: {  	[simem:s7], [sflag:s8] =	dma.local @!p0 [hbm:s6], $0xF7A  }
0x23: {  	s9 =	sor.u32 $0xD0000000, s2;
	s6 =	simm.s32 $0x108;
	_ =	swait.ge @!p0 [sflag:s8], $0x0  }
0x24: {  	s3 =	sadd.s32 $0x88, s3;
	s6 =	simm.s32 @!p1 $0x1082;
	[sflag:s4] =	ssyncset.s32 $0xFFFFF086  }
0x25: {  	[simem:s6], [sflag:s4] =	dma.local [hbm:s3], $0xF7A  }
0x26: {  	[smem:$0x3F9F] =	sst s1;
	(tag) =	ssettag s2;
	_ =	strace s9  }
0x27: {  	s1 =	sld [smem:$0x3FAF]  }
0x28: {  	s2 =	sld [smem:$0x3FB0]  }
0x29: {  	s4 =	sld [smem:$0x3FB2]  }
0x2a: {  	p0 =	seq.s32 s5, $0x0;
	s5 =	sld [smem:$0x3FB3]  }
0x2b: {  	s6 =	sld [smem:$0x3FB4]  }
0x2c: {  	s7 =	sld [smem:$0x3FB5]  }
0x2d: {  	s3 =	simm.s32 $0x108;
	s8 =	sld [smem:$0x3FB6]  }
0x2e: {  	s3 =	simm.s32 @!p0 $0x1082;
	s9 =	sld [smem:$0x3FB7]  }
0x2f: {  	lr =	sadd.s32 s0, s3;
	s0 =	sld [smem:$0x3FAE]  }
0x30: {  	s3 =	sld [smem:$0x3FB1]  }
0x31: {  	[smem:$0x3FBA] =	sst s10  }
0x32: {  	s10 =	sld [smem:$0x3FB8];
	_ =	sdelay $0x3  }
0x33: {  	p0 =	seq.s32 s10, $0x1;
	s10 =	sld [smem:$0x3FBA];
	_ =	sdelay $0x3  }
0x34: {  	[smem:$0x3FBA] =	sst s10  }
0x35: {  	s10 =	sld [smem:$0x3FB9];
	_ =	sdelay $0x3  }
0x36: {  	p1 =	seq.s32 s10, $0x1;
	s10 =	sld [smem:$0x3FBA];
	_ =	sdelay $0x3  }
0x37: {  	[smem:$0x3FBA] =	sst s10  }
0x38: {  	s10 =	sld [smem:$0x3FBB]  }
0x39: {  	_ = 	snop;
	(pc) =	sbr.ind lr, $3  }
0x3a: {  	_ = 	snop  }
0x3b: {  	_ = 	snop  }
0x3c: {  	p2 =	seq.s32 s10, $0x1;
	s10 =	sld [smem:$0x3FBA]  }
0x3d: {  	_ =	shalt  }
0x3e: {  	_ =	shalt  }
0x3f: {  	_ =	shalt  }
0x40: {  	_ =	shalt  }
0x41: {  	_ =	shalt  }
0x42: {  	_ =	shalt  }
0x43: {  	_ =	shalt  }
0x44: {  	_ =	shalt  }
0x45: {  	_ =	shalt  }
0x46: {  	_ =	shalt  }
0x47: {  	_ =	shalt  }
0x48: {  	_ =	shalt  }
0x49: {  	_ =	shalt  }
0x4a: {  	_ =	shalt  }
0x4b: {  	_ =	shalt  }
0x4c: {  	_ =	shalt  }
0x4d: {  	_ =	shalt  }
0x4e: {  	_ =	shalt  }
0x4f: {  	_ =	shalt  }
0x50: {  	_ =	shalt  }
0x51: {  	_ =	shalt  }
0x52: {  	_ =	shalt  }
0x53: {  	_ =	shalt  }
0x54: {  	_ =	shalt  }
0x55: {  	_ =	shalt  }
0x56: {  	_ =	shalt  }
0x57: {  	_ =	shalt  }
0x58: {  	_ =	shalt  }
0x59: {  	_ =	shalt  }
0x5a: {  	_ =	shalt  }
0x5b: {  	_ =	shalt  }
0x5c: {  	_ =	shalt  }
0x5d: {  	_ =	shalt  }
0x5e: {  	_ =	shalt  }
0x5f: {  	_ =	shalt  }
0x60: {  	_ =	shalt  }
0x61: {  	_ =	shalt  }
0x62: {  	_ =	shalt  }
0x63: {  	_ =	shalt  }
0x64: {  	_ =	shalt  }
0x65: {  	_ =	shalt  }
0x66: {  	_ =	shalt  }
0x67: {  	_ =	shalt  }
0x68: {  	_ =	shalt  }
0x69: {  	_ =	shalt  }
0x6a: {  	_ =	shalt  }
0x6b: {  	_ =	shalt  }
0x6c: {  	_ =	shalt  }
0x6d: {  	_ =	shalt  }
0x6e: {  	_ =	shalt  }
0x6f: {  	_ =	shalt  }
0x70: {  	_ =	shalt  }
0x71: {  	_ =	shalt  }
0x72: {  	_ =	shalt  }
0x73: {  	_ =	shalt  }
0x74: {  	_ =	shalt  }
0x75: {  	_ =	shalt  }
0x76: {  	_ =	shalt  }
0x77: {  	_ =	shalt  }
0x78: {  	_ =	shalt  }
0x79: {  	_ =	shalt  }
0x7a: {  	_ =	shalt  }
0x7b: {  	_ =	shalt  }
0x7c: {  	_ =	shalt  }
0x7d: {  	_ =	shalt  }
0x7e: {  	_ =	shalt  }
0x7f: {  	_ =	shalt  }
0x80: {  	_ =	shalt  }
0x81: {  	_ =	shalt  }
0x82: {  	_ =	shalt  }
0x83: {  	_ =	shalt  }
0x84: {  	_ =	shalt  }
0x85: {  	_ =	shalt  }
0x86: {  	_ =	shalt  }
0x87: {  	_ =	shalt  }
.Lfunc_end0:
.L_simem_size_0:
called_computation_lowered:
.L_overlay_start_0:
0x88: {  	s2 =	sld [smem:$0x3FD9]  }
0x89: {  	s3 =	sld [smem:$0x3FFE];
	_ =	sdelay $0x1  }
0x8a: {  	s1 =	srdreg.scid  }
0x8b: {  	s0 =	sand.u32 $0x1, s1  }
0x8c: {  	s14 =	sshll.u32 s0, $0xA;
	s2 =	sadd.s32 s3, s2  }
0x8d: {  	s2 =	sadd.s32 s2, s14  }
0x8e: {  	[smem:$0x3FC6] =	sst s2  }
0x8f: {  	_ = 	snop  }
0x90: {  	s2 =	sld [smem:$0x3FD0];
	_ =	sdelay $0x2  }
0x91: {  	s15 =	simm.s32 $0xA;
	s4 =	simm.s32 $0x10  }
0x92: {  	[smem:s4], [sflag:s15] =	dma.local [hbm:s2], $0x1  }
0x93: {  	_ =	swait.eq [sflag:s15], $0x1  }
0x94: {  	[sflag:s15] =	ssyncset.done $0x0  }
0x95: {  	[sflag:s15] =	ssyncadd.s32 $0xFFFFFFFF  }
0x96: {  	s16 =	sld [smem:$0x10];
	(tm) =	ssettm $0x1  }
0x97: {  	s17 =	sld [smem:$0x3FFB];
	_ =	sdelay $0x3  }
0x98: {  	_ =	strace s17  }
0x99: {  	s3 =	sld [smem:$0x3FFC];
	_ =	sdelay $0x3  }
0x9a: {  	_ =	strace s3  }
0x9b: {  	s3 =	sld [smem:$0x3FFD];
	_ =	sdelay $0x3  }
0x9c: {  	_ =	strace s3  }
0x9d: {  	_ =	strace $0x8FFFFFFF  }
0x9e: {  	s18 =	sld [smem:$0x3FDB];
	_ =	sdelay $0x1  }
0x9f: {  	s19 =	simm.s32 $_scs_section_size  }
0xa0: {  	s5 =	simm.s32 $_size__tile_overlayer_lowered;
	s6 =	simm.s32 $_tile_overlayer_lowered  }
0xa1: {  	s22 =	simm.s32 $0x1BFF;
	s21 =	sshll.u32 s6, $0x1;
	s3 =	sadd.s32 s19, s18  }
0xa2: {  	s7 =	simm.s32 $0x0;
	s20 =	sshll.u32 s5, $0x1;
	s5 =	sadd.s32 s21, s3  }
0xa3: {  	[timem:s7], [sflag:s22] =	dma.local [hbm:s5], s20  }
0xa4: {  	_ =	swait.ge [sflag:s22], s20  }
0xa5: {  	s4 =	ssub.s32 $0x0, s20;
	[sflag:s22] =	ssyncset.done $0x0  }
0xa6: {  	[sflag:s22] =	ssyncadd.s32 s4;
	_ =	sdelay $0x1  }
0xa7: {  	s23 =	simm.s32 $0x1B8B  }
0xa8: {  	_ =	swait.ge [sflag:s23], $0x1  }
0xa9: {  	[sflag:s23] =	ssyncset.done $0x0  }
0xaa: {  	s25 =	simm.s32 $0x1B8E;
	s24 =	sld [smem:$0x3FFE];
	[sflag:s23] =	ssyncadd.s32 $0xFFFFFFFF  }
0xab: {  	s26 =	simm.s32 $execute0_lowered;
	[smem:$0x3FD2] =	sst s25  }
0xac: {  	s5 =	sshll.u32 s26, $0x1;
	_ =	strace $0x80000046;
	[dreg:$0x1] =	wrdreg $0xFFFFFFFF  }
0xad: {  	s28 =	simm.s32 $_size_execute0_lowered;
	s3 =	sadd.s32 s3, s5;
	[dreg:$0x0] =	wrdreg $0x0  }
0xae: {  	s5 =	sshll.u32 s28, $0x1;
	[dreg:$0x2] =	wrdreg s3  }
0xaf: {  	[dreg:$0x3] =	wrdreg s5  }
0xb0: {  	[dreg:$0x4] =	wrdreg $0xC0  }
0xb1: {  	_ =	task [dreg:s7], $0x5FFFF  }
0xb2: {  	[dreg:$0x1] =	wrdreg $0xFFFFFFFF  }
0xb3: {  	[dreg:$0x0] =	wrdreg $0x60  }
0xb4: {  	[dreg:$0x2] =	wrdreg s24  }
0xb5: {  	[dreg:$0x3] =	wrdreg s16  }
0xb6: {  	[dreg:$0x4] =	wrdreg $0x9  }
0xb7: {  	_ =	task.clear_ibuf [dreg:s7], $0x5FFFF;
	_ =	strace $0x90000046  }
0xb8: {  	s29 =	simm.s32 $0x9;
	_ =	strace $0x80000048  }
0xb9: {  	_ =	swait.ge [sflag:s29], $0x1  }
0xba: {  	[sflag:s29] =	ssyncadd.s32 $0xFFFFFFFF  }
0xbb: {  	_ =	strace $0x90000048  }
0xbc: {  	_ =	sfence  }
0xbd: {  	s30 =	sld [smem:$0x0];
	_ =	sdelay $0x2  }
0xbe: {  	s31 =	sshll.u32 s1, $0xD;
	s1 =	sshrl.u32 s1, $0x2  }
0xbf: {  	s3 =	sand.u32 $0x4000, s31;
	s1 =	sadd.s32 s1, s30  }
0xc0: {  	s0 =	sor.u32 s3, s0;
	s1 =	sshll.u32 s1, $0x11  }
0xc1: {  	s0 =	sor.u32 s1, s0  }
0xc2: {  	s0 =	sadd.s32 $0x8F2B, s0  }
0xc3: {  	[sflag:s0] =	ssyncadd.remote.s32 $0x1  }
0xc4: {  	_ =	sfence.sel $0xFFFF  }
0xc5: {  	[dreg:$0x0] =	wrdreg $0xFFFFFFFF;
	(pc) =	sbr.abs _section_cstart, $3  }
0xc6: {  	[dreg:$0x1] =	wrdreg $0xFFFFFFFF  }
0xc7: {  	_ =	task.clear_ibuf [dreg:s7], $0x2FFFF;
	_ =	strace $0x9FFFFFFF  }
0xc8: {  	(tm) =	ssettm $0x7FFFFFFF  }
0xc9: {  	_ =	shalt  }
tec
execute0_lowered:
.L_overlay_start_1:
0x0: {  	(tag) =	ssettag $0x1  }
0x1: {  	s1 =	srdreg.scid  }
0x2: {  	s8 =	rddreg [dreg:$0x0];
	s0 =	stileid.u32  }
0x3: {  	s3 =	rddreg [dreg:$0x1];
	s2 =	simm.s32 $0x0;
	s6 =	sand.u32 $0x1, s1  }
0x4: {  	s4 =	sshll.u32 s0, $0x9;
	s1 =	rddreg [dreg:$0x2];
	s5 =	sshll.u32 s6, $0x8  }
0x5: {  	s7 =	simm.s32 $0x1;
	[smem:$0x7FF] =	sst s2;
	s9 =	sor.u32 s5, s4  }
0x6: {  	_ =	strace $0x80000047;
	s10 =	ssub.s32 $0x2, s6;
	s4 =	sshrl.u32 s9, $0x3  }
0x7: {  	s6 =	simm.s32 $0x100;
	s4 =	sadd.s32 s3, s4;
	s3 =	simm.s32 $0x2  }
0x8: {  	[tilespmem:s2], [sflag:$0x2] =	stream.linear.gather [hbm4b:s4+s2], $0x100, $0x38;
	[tilespmem:$0x8100] =	vst v63  }
0x9: {  	s5 =	sadd.s32 $0x11D800, s8;
	s11 =	sshrl.u32 s10, $0x1;
	_ =	swait.ge [sflag:s3], $0x100  }
0xa: {  	s9 =	sshll.u32 s9, $0x4;
	s31 =	ssub.s32 s10, s11;
	[sflag:s3] =	ssyncset.done $0x0  }
0xb: {  	s8 =	sadd.s32 s9, s8;
	s9 =	smax.u32 s31, $0x1;
	[sflag:s3] =	ssyncadd.s32 $0xFFFFFF00  }
0xc: {  	[tilespmem:s6], [sflag:$0x1] =	stream.indirect.gather [hbm4b:s5+s6], $0x80, s2, s6, $0xb8;
	[tilespmem:$0x8100] =	vst v63  }
0xd: {  	p0 =	sne.s32 s9, $0x1;
	_ =	swait.ge [sflag:s7], $0x8000  }
.Ltmp0:
0xe: {  	[sflag:s7] =	ssyncset.done $0x0;
	(pc) =	sbr.rel @!p0 .LBB2_2-.Ltmp0, $4  }
0xf: {  	s8 =	sadd.s32 $0x25800, s8;
	[sflag:s7] =	ssyncadd.s32 $0xFFFF8000  }
0x10: {  	[hbm4b:s8+s2] =	stream.linear.scatter [tilespmem:s6], [sflag:$0x2], $0x8000, $0x38;
	[tilespmem:$0x8100] =	vst v63  }
0x11: {  	_ =	swait.ge [sflag:s3], $0x8000  }
0x12: {  	s9 =	sadd.s32 $0xFFFFFFFF, s9;
	[sflag:s3] =	ssyncset.done $0x0  }
.LBB2_1:
0x13: {  	p0 =	sne.s32 s9, $0x1;
	s9 =	sadd.s32 $0xFFFFFFFF, s9;
	[sflag:s3] =	ssyncadd.s32 $0xFFFF8000  }
0x14: {  	[tilespmem:s2], [sflag:$0x2] =	stream.linear.gather [hbm4b:s4+s2], $0x100, $0x38;
	[tilespmem:$0x8100] =	vst v63  }
0x15: {  	_ =	swait.ge [sflag:s3], $0x100  }
0x16: {  	[sflag:s3] =	ssyncset.done $0x0  }
0x17: {  	[sflag:s3] =	ssyncadd.s32 $0xFFFFFF00  }
0x18: {  	[tilespmem:s6], [sflag:$0x1] =	stream.indirect.gather [hbm4b:s5+s6], $0x80, s2, s6, $0xb8;
	[tilespmem:$0x8100] =	vst v63  }
0x19: {  	_ =	swait.ge [sflag:s7], $0x8000  }
.Ltmp1:
0x1a: {  	[sflag:s7] =	ssyncset.done $0x0;
	(pc) =	sbr.rel @p0 .LBB2_1-.Ltmp1, $4  }
0x1b: {  	[sflag:s7] =	ssyncadd.s32 $0xFFFF8000  }
0x1c: {  	[hbm4b:s8+s2] =	stream.linear.scatter [tilespmem:s6], [sflag:$0x2], $0x8000, $0x38;
	[tilespmem:$0x8100] =	vst v63  }
0x1d: {  	_ =	swait.ge [sflag:s3], $0x8000  }
0x1e: {  	[sflag:s3] =	ssyncset.done $0x0  }
.LBB2_2:
0x1f: {  	[sflag:s3] =	ssyncadd.s32 $0xFFFF8000  }
0x20: {  	_ =	sfence.sel $0x180000  }
0x21: {  	[bflag:$0x0] =	sbarrier.arrive $0xFFFF  }
0x22: {  	p0 =	sne.s32 s0, $0x0;
	_ =	strace $0x90000047  }
0x23: {  	s0 =	sadd.s32 @!p0 $0x100000, s1;
	[bflag:$0x2] =	sbarrier.arrive $0xFFFF  }
0x24: {  	[sflag:s0] =	ssyncadd.tile.s32 @!p0 $0x1;
	_ =	shalt  }
.Lfunc_end2:
_tile_overlayer_lowered:
.L_overlay_start_2:
0x25: {  	(tag) =	ssettag $0x2  }
0x26: {  	s0 =	rddreg [dreg:$0x0];
	s2 =	stileid.u32  }
0x27: {  	s1 =	rddreg [dreg:$0x1];
	p0 =	sne.s32 s2, $0x0  }
0x28: {  	s3 =	rddreg [dreg:$0x2];
	[bflag:$0x3] =	sbarrier.arrive $0xFFFF;
	s2 =	simm.s32 @!p0 $0x1C02  }
0x29: {  	[timem:s3], [sflag:s2] =	dma.local @!p0 [hbm:s0], s1  }
0x2a: {  	s0 =	simm.s32 @!p0 $0x2  }
0x2b: {  	_ =	swait.ge @!p0 [sflag:s0], s1  }
0x2c: {  	s1 =	ssub.s32 @!p0 $0x0, s1;
	[sflag:s0] =	ssyncset.done @!p0 $0x0  }
0x2d: {  	[sflag:s0] =	ssyncadd.s32 @!p0 s1  }
0x2e: {  	[bflag:$0x3] =	sbarrier.arrive $0xFFFF  }
0x2f: {  	_ =	shalt  }

// kernel: kernel.22.cloned.1.call-start
scs
__scs_entry_jumppad:
0x0: {  	(pc) =	sbr.rel $0x88, $3  }
0x1: {  	(tag) =	ssettag $0x0;
	lr =	simm.s32 $0x1  }
0x2: {  	[smem:$0x3F9F] =	sst lr;
	_ =	strace $0xD0000000  }
0x3: {  	_ = 	snop  }
0x4: {  	_ = 	snop  }
0x5: {  	_ = 	snop  }
0x6: {  	_ = 	snop  }
0x7: {  	_ = 	snop  }
__scs_overlays_trampoline_lowered:
0x8: {  	[smem:$0x3FAE] =	sst s0  }
0x9: {  	[smem:$0x3FAF] =	sst s1  }
0xa: {  	[smem:$0x3FB0] =	sst s2  }
0xb: {  	[smem:$0x3FB1] =	sst s3  }
0xc: {  	[smem:$0x3FB2] =	sst s4  }
0xd: {  	[smem:$0x3FB3] =	sst s5  }
0xe: {  	[smem:$0x3FB4] =	sst s6  }
0xf: {  	[smem:$0x3FB5] =	sst s7  }
0x10: {  	[smem:$0x3FB6] =	sst s8  }
0x11: {  	[smem:$0x3FB7] =	sst s9;
	s0 =	simm.s32 @!p0 $0x0  }
0x12: {  	s1 =	sld [smem:$0x3F9D];
	s0 =	simm.s32 @p0 $0x1  }
0x13: {  	[smem:$0x3FB8] =	sst s0;
	s0 =	simm.s32 @!p1 $0x0  }
0x14: {  	s2 =	sld [smem:$0x3F9C];
	s0 =	simm.s32 @p1 $0x1  }
0x15: {  	[smem:$0x3FB9] =	sst s0;
	s0 =	simm.s32 @!p2 $0x0  }
0x16: {  	s3 =	sld [smem:$0x3FDB];
	s0 =	simm.s32 @p2 $0x1  }
0x17: {  	s4 =	simm.s32 $0x1BF5;
	[smem:$0x3FBB] =	sst s0  }
0x18: {  	s0 =	sld [smem:$0x3F9E];
	_ =	swait.ge [sflag:s4], $0x0  }
0x19: {  	s7 =	sld [smem:$0x3F9F]  }
0x1a: {  	s8 =	sadd.s32 $0xFFFFE003, lr  }
0x1b: {  	s9 =	sadd.s32 $0xFFFFFEF7, lr;
	s5 =	simm.s32 $0xFFFFFFFF;
	p2 =	slt.u32 s8, $0xFFFFF086  }
0x1c: {  	p1 =	slt.u32 s9, $0xF7A;
	s5 =	simm.s32 @!p2 $0x0  }
0x1d: {  	s5 =	simm.s32 @p1 $0x1;
	p0 =	seq.s32 s7, s2  }
0x1e: {  	s7 =	smul.u32 @!p0 $0xF7A, s2;
	p2 =	seq.s32 @!p0 s5, $0x0  }
0x1f: {  	s9 =	smul.u32 $0xF7A, s1;
	s8 =	simm.s32 @!p0 $0x1BF5;
	p2 =	por !p2, p0  }
0x20: {  	[sflag:s8] =	ssyncset.s32 @!p0 $0xFFFFF086;
	s6 =	sadd.s32 @!p0 s3, s7;
	s7 =	simm.s32 @!p0 $0x108  }
0x21: {  	s3 =	sadd.s32 s3, s9;
	s6 =	sadd.s32 @!p0 $0x88, s6;
	s7 =	simm.s32 @p2 $0x1082  }
0x22: {  	[simem:s7], [sflag:s8] =	dma.local @!p0 [hbm:s6], $0xF7A  }
0x23: {  	s9 =	sor.u32 $0xD0000000, s2;
	s6 =	simm.s32 $0x108;
	_ =	swait.ge @!p0 [sflag:s8], $0x0  }
0x24: {  	s3 =	sadd.s32 $0x88, s3;
	s6 =	simm.s32 @!p1 $0x1082;
	[sflag:s4] =	ssyncset.s32 $0xFFFFF086  }
0x25: {  	[simem:s6], [sflag:s4] =	dma.local [hbm:s3], $0xF7A  }
0x26: {  	[smem:$0x3F9F] =	sst s1;
	(tag) =	ssettag s2;
	_ =	strace s9  }
0x27: {  	s1 =	sld [smem:$0x3FAF]  }
0x28: {  	s2 =	sld [smem:$0x3FB0]  }
0x29: {  	s4 =	sld [smem:$0x3FB2]  }
0x2a: {  	p0 =	seq.s32 s5, $0x0;
	s5 =	sld [smem:$0x3FB3]  }
0x2b: {  	s6 =	sld [smem:$0x3FB4]  }
0x2c: {  	s7 =	sld [smem:$0x3FB5]  }
0x2d: {  	s3 =	simm.s32 $0x108;
	s8 =	sld [smem:$0x3FB6]  }
0x2e: {  	s3 =	simm.s32 @!p0 $0x1082;
	s9 =	sld [smem:$0x3FB7]  }
0x2f: {  	lr =	sadd.s32 s0, s3;
	s0 =	sld [smem:$0x3FAE]  }
0x30: {  	s3 =	sld [smem:$0x3FB1]  }
0x31: {  	[smem:$0x3FBA] =	sst s10  }
0x32: {  	s10 =	sld [smem:$0x3FB8];
	_ =	sdelay $0x3  }
0x33: {  	p0 =	seq.s32 s10, $0x1;
	s10 =	sld [smem:$0x3FBA];
	_ =	sdelay $0x3  }
0x34: {  	[smem:$0x3FBA] =	sst s10  }
0x35: {  	s10 =	sld [smem:$0x3FB9];
	_ =	sdelay $0x3  }
0x36: {  	p1 =	seq.s32 s10, $0x1;
	s10 =	sld [smem:$0x3FBA];
	_ =	sdelay $0x3  }
0x37: {  	[smem:$0x3FBA] =	sst s10  }
0x38: {  	s10 =	sld [smem:$0x3FBB]  }
0x39: {  	_ = 	snop;
	(pc) =	sbr.ind lr, $3  }
0x3a: {  	_ = 	snop  }
0x3b: {  	_ = 	snop  }
0x3c: {  	p2 =	seq.s32 s10, $0x1;
	s10 =	sld [smem:$0x3FBA]  }
0x3d: {  	_ =	shalt  }
0x3e: {  	_ =	shalt  }
0x3f: {  	_ =	shalt  }
0x40: {  	_ =	shalt  }
0x41: {  	_ =	shalt  }
0x42: {  	_ =	shalt  }
0x43: {  	_ =	shalt  }
0x44: {  	_ =	shalt  }
0x45: {  	_ =	shalt  }
0x46: {  	_ =	shalt  }
0x47: {  	_ =	shalt  }
0x48: {  	_ =	shalt  }
0x49: {  	_ =	shalt  }
0x4a: {  	_ =	shalt  }
0x4b: {  	_ =	shalt  }
0x4c: {  	_ =	shalt  }
0x4d: {  	_ =	shalt  }
0x4e: {  	_ =	shalt  }
0x4f: {  	_ =	shalt  }
0x50: {  	_ =	shalt  }
0x51: {  	_ =	shalt  }
0x52: {  	_ =	shalt  }
0x53: {  	_ =	shalt  }
0x54: {  	_ =	shalt  }
0x55: {  	_ =	shalt  }
0x56: {  	_ =	shalt  }
0x57: {  	_ =	shalt  }
0x58: {  	_ =	shalt  }
0x59: {  	_ =	shalt  }
0x5a: {  	_ =	shalt  }
0x5b: {  	_ =	shalt  }
0x5c: {  	_ =	shalt  }
0x5d: {  	_ =	shalt  }
0x5e: {  	_ =	shalt  }
0x5f: {  	_ =	shalt  }
0x60: {  	_ =	shalt  }
0x61: {  	_ =	shalt  }
0x62: {  	_ =	shalt  }
0x63: {  	_ =	shalt  }
0x64: {  	_ =	shalt  }
0x65: {  	_ =	shalt  }
0x66: {  	_ =	shalt  }
0x67: {  	_ =	shalt  }
0x68: {  	_ =	shalt  }
0x69: {  	_ =	shalt  }
0x6a: {  	_ =	shalt  }
0x6b: {  	_ =	shalt  }
0x6c: {  	_ =	shalt  }
0x6d: {  	_ =	shalt  }
0x6e: {  	_ =	shalt  }
0x6f: {  	_ =	shalt  }
0x70: {  	_ =	shalt  }
0x71: {  	_ =	shalt  }
0x72: {  	_ =	shalt  }
0x73: {  	_ =	shalt  }
0x74: {  	_ =	shalt  }
0x75: {  	_ =	shalt  }
0x76: {  	_ =	shalt  }
0x77: {  	_ =	shalt  }
0x78: {  	_ =	shalt  }
0x79: {  	_ =	shalt  }
0x7a: {  	_ =	shalt  }
0x7b: {  	_ =	shalt  }
0x7c: {  	_ =	shalt  }
0x7d: {  	_ =	shalt  }
0x7e: {  	_ =	shalt  }
0x7f: {  	_ =	shalt  }
0x80: {  	_ =	shalt  }
0x81: {  	_ =	shalt  }
0x82: {  	_ =	shalt  }
0x83: {  	_ =	shalt  }
0x84: {  	_ =	shalt  }
0x85: {  	_ =	shalt  }
0x86: {  	_ =	shalt  }
0x87: {  	_ =	shalt  }
.Lfunc_end0:
.L_simem_size_0:
called_computation.1_lowered:
.L_overlay_start_0:
0x88: {  	s2 =	sld [smem:$0x3FD9]  }
0x89: {  	s3 =	sld [smem:$0x3FFE];
	_ =	sdelay $0x1  }
0x8a: {  	s1 =	srdreg.scid  }
0x8b: {  	s0 =	sand.u32 $0x1, s1  }
0x8c: {  	s14 =	sshll.u32 s0, $0xA;
	s2 =	sadd.s32 s3, s2  }
0x8d: {  	s2 =	sadd.s32 s2, s14  }
0x8e: {  	[smem:$0x3FC6] =	sst s2  }
0x8f: {  	_ = 	snop  }
0x90: {  	s2 =	sld [smem:$0x3FD0];
	_ =	sdelay $0x2  }
0x91: {  	s15 =	simm.s32 $0xA;
	s4 =	simm.s32 $0x10  }
0x92: {  	[smem:s4], [sflag:s15] =	dma.local [hbm:s2], $0x1  }
0x93: {  	_ =	swait.eq [sflag:s15], $0x1  }
0x94: {  	[sflag:s15] =	ssyncset.done $0x0  }
0x95: {  	[sflag:s15] =	ssyncadd.s32 $0xFFFFFFFF  }
0x96: {  	s16 =	sld [smem:$0x10];
	(tm) =	ssettm $0x1  }
0x97: {  	s17 =	sld [smem:$0x3FFB];
	_ =	sdelay $0x3  }
0x98: {  	_ =	strace s17  }
0x99: {  	s3 =	sld [smem:$0x3FFC];
	_ =	sdelay $0x3  }
0x9a: {  	_ =	strace s3  }
0x9b: {  	s3 =	sld [smem:$0x3FFD];
	_ =	sdelay $0x3  }
0x9c: {  	_ =	strace s3  }
0x9d: {  	_ =	strace $0x8FFFFFFF  }
0x9e: {  	s18 =	sld [smem:$0x3FDB];
	_ =	sdelay $0x1  }
0x9f: {  	s19 =	simm.s32 $_scs_section_size  }
0xa0: {  	s5 =	simm.s32 $_size__tile_overlayer_lowered;
	s6 =	simm.s32 $_tile_overlayer_lowered  }
0xa1: {  	s22 =	simm.s32 $0x1BFF;
	s21 =	sshll.u32 s6, $0x1;
	s3 =	sadd.s32 s19, s18  }
0xa2: {  	s7 =	simm.s32 $0x0;
	s20 =	sshll.u32 s5, $0x1;
	s5 =	sadd.s32 s21, s3  }
0xa3: {  	[timem:s7], [sflag:s22] =	dma.local [hbm:s5], s20  }
0xa4: {  	_ =	swait.ge [sflag:s22], s20  }
0xa5: {  	s4 =	ssub.s32 $0x0, s20;
	[sflag:s22] =	ssyncset.done $0x0  }
0xa6: {  	[sflag:s22] =	ssyncadd.s32 s4;
	_ =	sdelay $0x1  }
0xa7: {  	s23 =	simm.s32 $0x1B8B  }
0xa8: {  	_ =	swait.ge [sflag:s23], $0x1  }
0xa9: {  	[sflag:s23] =	ssyncset.done $0x0  }
0xaa: {  	s25 =	simm.s32 $0x1B8E;
	s24 =	sld [smem:$0x3FFE];
	[sflag:s23] =	ssyncadd.s32 $0xFFFFFFFF  }
0xab: {  	s26 =	simm.s32 $execute0_lowered;
	[smem:$0x3FD2] =	sst s25  }
0xac: {  	s5 =	sshll.u32 s26, $0x1;
	_ =	strace $0x80000049;
	[dreg:$0x1] =	wrdreg $0xFFFFFFFF  }
0xad: {  	s28 =	simm.s32 $_size_execute0_lowered;
	s3 =	sadd.s32 s3, s5;
	[dreg:$0x0] =	wrdreg $0x0  }
0xae: {  	s5 =	sshll.u32 s28, $0x1;
	[dreg:$0x2] =	wrdreg s3  }
0xaf: {  	[dreg:$0x3] =	wrdreg s5  }
0xb0: {  	[dreg:$0x4] =	wrdreg $0xC0  }
0xb1: {  	_ =	task [dreg:s7], $0x5FFFF  }
0xb2: {  	[dreg:$0x1] =	wrdreg $0xFFFFFFFF  }
0xb3: {  	[dreg:$0x0] =	wrdreg $0x60  }
0xb4: {  	[dreg:$0x2] =	wrdreg s24  }
0xb5: {  	[dreg:$0x3] =	wrdreg s16  }
0xb6: {  	[dreg:$0x4] =	wrdreg $0x9  }
0xb7: {  	_ =	task.clear_ibuf [dreg:s7], $0x5FFFF;
	_ =	strace $0x90000049  }
0xb8: {  	s29 =	simm.s32 $0x9;
	_ =	strace $0x8000004B  }
0xb9: {  	_ =	swait.ge [sflag:s29], $0x1  }
0xba: {  	[sflag:s29] =	ssyncadd.s32 $0xFFFFFFFF  }
0xbb: {  	_ =	strace $0x9000004B  }
0xbc: {  	_ =	sfence  }
0xbd: {  	s30 =	sld [smem:$0x0];
	_ =	sdelay $0x2  }
0xbe: {  	s31 =	sshll.u32 s1, $0xD;
	s1 =	sshrl.u32 s1, $0x2  }
0xbf: {  	s3 =	sand.u32 $0x4000, s31;
	s1 =	sadd.s32 s1, s30  }
0xc0: {  	s0 =	sor.u32 s3, s0;
	s1 =	sshll.u32 s1, $0x11  }
0xc1: {  	s0 =	sor.u32 s1, s0  }
0xc2: {  	s0 =	sadd.s32 $0x8F2B, s0  }
0xc3: {  	[sflag:s0] =	ssyncadd.remote.s32 $0x1  }
0xc4: {  	_ =	sfence.sel $0xFFFF  }
0xc5: {  	[dreg:$0x0] =	wrdreg $0xFFFFFFFF;
	(pc) =	sbr.abs _section_cstart, $3  }
0xc6: {  	[dreg:$0x1] =	wrdreg $0xFFFFFFFF  }
0xc7: {  	_ =	task.clear_ibuf [dreg:s7], $0x2FFFF;
	_ =	strace $0x9FFFFFFF  }
0xc8: {  	(tm) =	ssettm $0x7FFFFFFF  }
0xc9: {  	_ =	shalt  }
tec
execute0_lowered:
.L_overlay_start_1:
0x0: {  	(tag) =	ssettag $0x1  }
0x1: {  	s1 =	srdreg.scid  }
0x2: {  	s8 =	rddreg [dreg:$0x0];
	s0 =	stileid.u32  }
0x3: {  	s3 =	rddreg [dreg:$0x1];
	s2 =	simm.s32 $0x0;
	s6 =	sand.u32 $0x1, s1  }
0x4: {  	s4 =	sshll.u32 s0, $0x9;
	s1 =	rddreg [dreg:$0x2];
	s5 =	sshll.u32 s6, $0x8  }
0x5: {  	s7 =	simm.s32 $0x1;
	[smem:$0x7FF] =	sst s2;
	s9 =	sor.u32 s5, s4  }
0x6: {  	_ =	strace $0x8000004A;
	s10 =	ssub.s32 $0x2, s6;
	s4 =	sshrl.u32 s9, $0x3  }
0x7: {  	s6 =	simm.s32 $0x100;
	s4 =	sadd.s32 s3, s4;
	s3 =	simm.s32 $0x2  }
0x8: {  	[tilespmem:s2], [sflag:$0x2] =	stream.linear.gather [hbm4b:s4+s2], $0x100, $0x38;
	[tilespmem:$0x8100] =	vst v63  }
0x9: {  	s5 =	sadd.s32 $0x13D800, s8;
	s11 =	sshrl.u32 s10, $0x1;
	_ =	swait.ge [sflag:s3], $0x100  }
0xa: {  	s9 =	sshll.u32 s9, $0x4;
	s31 =	ssub.s32 s10, s11;
	[sflag:s3] =	ssyncset.done $0x0  }
0xb: {  	s8 =	sadd.s32 s9, s8;
	s9 =	smax.u32 s31, $0x1;
	[sflag:s3] =	ssyncadd.s32 $0xFFFFFF00  }
0xc: {  	[tilespmem:s6], [sflag:$0x1] =	stream.indirect.gather [hbm4b:s5+s6], $0x80, s2, s6, $0xb8;
	[tilespmem:$0x8100] =	vst v63  }
0xd: {  	p0 =	sne.s32 s9, $0x1;
	_ =	swait.ge [sflag:s7], $0x8000  }
.Ltmp0:
0xe: {  	[sflag:s7] =	ssyncset.done $0x0;
	(pc) =	sbr.rel @!p0 .LBB2_2-.Ltmp0, $4  }
0xf: {  	s8 =	sadd.s32 $0x5800, s8;
	[sflag:s7] =	ssyncadd.s32 $0xFFFF8000  }
0x10: {  	[hbm4b:s8+s2] =	stream.linear.scatter [tilespmem:s6], [sflag:$0x2], $0x8000, $0x38;
	[tilespmem:$0x8100] =	vst v63  }
0x11: {  	_ =	swait.ge [sflag:s3], $0x8000  }
0x12: {  	s9 =	sadd.s32 $0xFFFFFFFF, s9;
	[sflag:s3] =	ssyncset.done $0x0  }
.LBB2_1:
0x13: {  	p0 =	sne.s32 s9, $0x1;
	s9 =	sadd.s32 $0xFFFFFFFF, s9;
	[sflag:s3] =	ssyncadd.s32 $0xFFFF8000  }
0x14: {  	[tilespmem:s2], [sflag:$0x2] =	stream.linear.gather [hbm4b:s4+s2], $0x100, $0x38;
	[tilespmem:$0x8100] =	vst v63  }
0x15: {  	_ =	swait.ge [sflag:s3], $0x100  }
0x16: {  	[sflag:s3] =	ssyncset.done $0x0  }
0x17: {  	[sflag:s3] =	ssyncadd.s32 $0xFFFFFF00  }
0x18: {  	[tilespmem:s6], [sflag:$0x1] =	stream.indirect.gather [hbm4b:s5+s6], $0x80, s2, s6, $0xb8;
	[tilespmem:$0x8100] =	vst v63  }
0x19: {  	_ =	swait.ge [sflag:s7], $0x8000  }
.Ltmp1:
0x1a: {  	[sflag:s7] =	ssyncset.done $0x0;
	(pc) =	sbr.rel @p0 .LBB2_1-.Ltmp1, $4  }
0x1b: {  	[sflag:s7] =	ssyncadd.s32 $0xFFFF8000  }
0x1c: {  	[hbm4b:s8+s2] =	stream.linear.scatter [tilespmem:s6], [sflag:$0x2], $0x8000, $0x38;
	[tilespmem:$0x8100] =	vst v63  }
0x1d: {  	_ =	swait.ge [sflag:s3], $0x8000  }
0x1e: {  	[sflag:s3] =	ssyncset.done $0x0  }
.LBB2_2:
0x1f: {  	[sflag:s3] =	ssyncadd.s32 $0xFFFF8000  }
0x20: {  	_ =	sfence.sel $0x180000  }
0x21: {  	[bflag:$0x0] =	sbarrier.arrive $0xFFFF  }
0x22: {  	p0 =	sne.s32 s0, $0x0;
	_ =	strace $0x9000004A  }
0x23: {  	s0 =	sadd.s32 @!p0 $0x100000, s1;
	[bflag:$0x2] =	sbarrier.arrive $0xFFFF  }
0x24: {  	[sflag:s0] =	ssyncadd.tile.s32 @!p0 $0x1;
	_ =	shalt  }
.Lfunc_end2:
_tile_overlayer_lowered:
.L_overlay_start_2:
0x25: {  	(tag) =	ssettag $0x2  }
0x26: {  	s0 =	rddreg [dreg:$0x0];
	s2 =	stileid.u32  }
0x27: {  	s1 =	rddreg [dreg:$0x1];
	p0 =	sne.s32 s2, $0x0  }
0x28: {  	s3 =	rddreg [dreg:$0x2];
	[bflag:$0x3] =	sbarrier.arrive $0xFFFF;
	s2 =	simm.s32 @!p0 $0x1C02  }
0x29: {  	[timem:s3], [sflag:s2] =	dma.local @!p0 [hbm:s0], s1  }
0x2a: {  	s0 =	simm.s32 @!p0 $0x2  }
0x2b: {  	_ =	swait.ge @!p0 [sflag:s0], s1  }
0x2c: {  	s1 =	ssub.s32 @!p0 $0x0, s1;
	[sflag:s0] =	ssyncset.done @!p0 $0x0  }
0x2d: {  	[sflag:s0] =	ssyncadd.s32 @!p0 s1  }
0x2e: {  	[bflag:$0x3] =	sbarrier.arrive $0xFFFF  }
0x2f: {  	_ =	shalt  }

// kernel: kernel.25.cloned.1.call-start
scs
__scs_entry_jumppad:
0x0: {  	(pc) =	sbr.rel $0x88, $3  }
0x1: {  	(tag) =	ssettag $0x0;
	lr =	simm.s32 $0x1  }
0x2: {  	[smem:$0x3F9F] =	sst lr;
	_ =	strace $0xD0000000  }
0x3: {  	_ = 	snop  }
0x4: {  	_ = 	snop  }
0x5: {  	_ = 	snop  }
0x6: {  	_ = 	snop  }
0x7: {  	_ = 	snop  }
__scs_overlays_trampoline_lowered:
0x8: {  	[smem:$0x3FAE] =	sst s0  }
0x9: {  	[smem:$0x3FAF] =	sst s1  }
0xa: {  	[smem:$0x3FB0] =	sst s2  }
0xb: {  	[smem:$0x3FB1] =	sst s3  }
0xc: {  	[smem:$0x3FB2] =	sst s4  }
0xd: {  	[smem:$0x3FB3] =	sst s5  }
0xe: {  	[smem:$0x3FB4] =	sst s6  }
0xf: {  	[smem:$0x3FB5] =	sst s7  }
0x10: {  	[smem:$0x3FB6] =	sst s8  }
0x11: {  	[smem:$0x3FB7] =	sst s9;
	s0 =	simm.s32 @!p0 $0x0  }
0x12: {  	s1 =	sld [smem:$0x3F9D];
	s0 =	simm.s32 @p0 $0x1  }
0x13: {  	[smem:$0x3FB8] =	sst s0;
	s0 =	simm.s32 @!p1 $0x0  }
0x14: {  	s2 =	sld [smem:$0x3F9C];
	s0 =	simm.s32 @p1 $0x1  }
0x15: {  	[smem:$0x3FB9] =	sst s0;
	s0 =	simm.s32 @!p2 $0x0  }
0x16: {  	s3 =	sld [smem:$0x3FDB];
	s0 =	simm.s32 @p2 $0x1  }
0x17: {  	s4 =	simm.s32 $0x1BF5;
	[smem:$0x3FBB] =	sst s0  }
0x18: {  	s0 =	sld [smem:$0x3F9E];
	_ =	swait.ge [sflag:s4], $0x0  }
0x19: {  	s7 =	sld [smem:$0x3F9F]  }
0x1a: {  	s8 =	sadd.s32 $0xFFFFE003, lr  }
0x1b: {  	s9 =	sadd.s32 $0xFFFFFEF7, lr;
	s5 =	simm.s32 $0xFFFFFFFF;
	p2 =	slt.u32 s8, $0xFFFFF086  }
0x1c: {  	p1 =	slt.u32 s9, $0xF7A;
	s5 =	simm.s32 @!p2 $0x0  }
0x1d: {  	s5 =	simm.s32 @p1 $0x1;
	p0 =	seq.s32 s7, s2  }
0x1e: {  	s7 =	smul.u32 @!p0 $0xF7A, s2;
	p2 =	seq.s32 @!p0 s5, $0x0  }
0x1f: {  	s9 =	smul.u32 $0xF7A, s1;
	s8 =	simm.s32 @!p0 $0x1BF5;
	p2 =	por !p2, p0  }
0x20: {  	[sflag:s8] =	ssyncset.s32 @!p0 $0xFFFFF086;
	s6 =	sadd.s32 @!p0 s3, s7;
	s7 =	simm.s32 @!p0 $0x108  }
0x21: {  	s3 =	sadd.s32 s3, s9;
	s6 =	sadd.s32 @!p0 $0x88, s6;
	s7 =	simm.s32 @p2 $0x1082  }
0x22: {  	[simem:s7], [sflag:s8] =	dma.local @!p0 [hbm:s6], $0xF7A  }
0x23: {  	s9 =	sor.u32 $0xD0000000, s2;
	s6 =	simm.s32 $0x108;
	_ =	swait.ge @!p0 [sflag:s8], $0x0  }
0x24: {  	s3 =	sadd.s32 $0x88, s3;
	s6 =	simm.s32 @!p1 $0x1082;
	[sflag:s4] =	ssyncset.s32 $0xFFFFF086  }
0x25: {  	[simem:s6], [sflag:s4] =	dma.local [hbm:s3], $0xF7A  }
0x26: {  	[smem:$0x3F9F] =	sst s1;
	(tag) =	ssettag s2;
	_ =	strace s9  }
0x27: {  	s1 =	sld [smem:$0x3FAF]  }
0x28: {  	s2 =	sld [smem:$0x3FB0]  }
0x29: {  	s4 =	sld [smem:$0x3FB2]  }
0x2a: {  	p0 =	seq.s32 s5, $0x0;
	s5 =	sld [smem:$0x3FB3]  }
0x2b: {  	s6 =	sld [smem:$0x3FB4]  }
0x2c: {  	s7 =	sld [smem:$0x3FB5]  }
0x2d: {  	s3 =	simm.s32 $0x108;
	s8 =	sld [smem:$0x3FB6]  }
0x2e: {  	s3 =	simm.s32 @!p0 $0x1082;
	s9 =	sld [smem:$0x3FB7]  }
0x2f: {  	lr =	sadd.s32 s0, s3;
	s0 =	sld [smem:$0x3FAE]  }
0x30: {  	s3 =	sld [smem:$0x3FB1]  }
0x31: {  	[smem:$0x3FBA] =	sst s10  }
0x32: {  	s10 =	sld [smem:$0x3FB8];
	_ =	sdelay $0x3  }
0x33: {  	p0 =	seq.s32 s10, $0x1;
	s10 =	sld [smem:$0x3FBA];
	_ =	sdelay $0x3  }
0x34: {  	[smem:$0x3FBA] =	sst s10  }
0x35: {  	s10 =	sld [smem:$0x3FB9];
	_ =	sdelay $0x3  }
0x36: {  	p1 =	seq.s32 s10, $0x1;
	s10 =	sld [smem:$0x3FBA];
	_ =	sdelay $0x3  }
0x37: {  	[smem:$0x3FBA] =	sst s10  }
0x38: {  	s10 =	sld [smem:$0x3FBB]  }
0x39: {  	_ = 	snop;
	(pc) =	sbr.ind lr, $3  }
0x3a: {  	_ = 	snop  }
0x3b: {  	_ = 	snop  }
0x3c: {  	p2 =	seq.s32 s10, $0x1;
	s10 =	sld [smem:$0x3FBA]  }
0x3d: {  	_ =	shalt  }
0x3e: {  	_ =	shalt  }
0x3f: {  	_ =	shalt  }
0x40: {  	_ =	shalt  }
0x41: {  	_ =	shalt  }
0x42: {  	_ =	shalt  }
0x43: {  	_ =	shalt  }
0x44: {  	_ =	shalt  }
0x45: {  	_ =	shalt  }
0x46: {  	_ =	shalt  }
0x47: {  	_ =	shalt  }
0x48: {  	_ =	shalt  }
0x49: {  	_ =	shalt  }
0x4a: {  	_ =	shalt  }
0x4b: {  	_ =	shalt  }
0x4c: {  	_ =	shalt  }
0x4d: {  	_ =	shalt  }
0x4e: {  	_ =	shalt  }
0x4f: {  	_ =	shalt  }
0x50: {  	_ =	shalt  }
0x51: {  	_ =	shalt  }
0x52: {  	_ =	shalt  }
0x53: {  	_ =	shalt  }
0x54: {  	_ =	shalt  }
0x55: {  	_ =	shalt  }
0x56: {  	_ =	shalt  }
0x57: {  	_ =	shalt  }
0x58: {  	_ =	shalt  }
0x59: {  	_ =	shalt  }
0x5a: {  	_ =	shalt  }
0x5b: {  	_ =	shalt  }
0x5c: {  	_ =	shalt  }
0x5d: {  	_ =	shalt  }
0x5e: {  	_ =	shalt  }
0x5f: {  	_ =	shalt  }
0x60: {  	_ =	shalt  }
0x61: {  	_ =	shalt  }
0x62: {  	_ =	shalt  }
0x63: {  	_ =	shalt  }
0x64: {  	_ =	shalt  }
0x65: {  	_ =	shalt  }
0x66: {  	_ =	shalt  }
0x67: {  	_ =	shalt  }
0x68: {  	_ =	shalt  }
0x69: {  	_ =	shalt  }
0x6a: {  	_ =	shalt  }
0x6b: {  	_ =	shalt  }
0x6c: {  	_ =	shalt  }
0x6d: {  	_ =	shalt  }
0x6e: {  	_ =	shalt  }
0x6f: {  	_ =	shalt  }
0x70: {  	_ =	shalt  }
0x71: {  	_ =	shalt  }
0x72: {  	_ =	shalt  }
0x73: {  	_ =	shalt  }
0x74: {  	_ =	shalt  }
0x75: {  	_ =	shalt  }
0x76: {  	_ =	shalt  }
0x77: {  	_ =	shalt  }
0x78: {  	_ =	shalt  }
0x79: {  	_ =	shalt  }
0x7a: {  	_ =	shalt  }
0x7b: {  	_ =	shalt  }
0x7c: {  	_ =	shalt  }
0x7d: {  	_ =	shalt  }
0x7e: {  	_ =	shalt  }
0x7f: {  	_ =	shalt  }
0x80: {  	_ =	shalt  }
0x81: {  	_ =	shalt  }
0x82: {  	_ =	shalt  }
0x83: {  	_ =	shalt  }
0x84: {  	_ =	shalt  }
0x85: {  	_ =	shalt  }
0x86: {  	_ =	shalt  }
0x87: {  	_ =	shalt  }
.Lfunc_end0:
.L_simem_size_0:
called_computation.2_lowered:
.L_overlay_start_0:
0x88: {  	s2 =	sld [smem:$0x3FD9]  }
0x89: {  	s3 =	sld [smem:$0x3FFE];
	_ =	sdelay $0x1  }
0x8a: {  	s1 =	srdreg.scid  }
0x8b: {  	s0 =	sand.u32 $0x1, s1  }
0x8c: {  	s14 =	sshll.u32 s0, $0xA;
	s2 =	sadd.s32 s3, s2  }
0x8d: {  	s2 =	sadd.s32 s2, s14  }
0x8e: {  	[smem:$0x3FC6] =	sst s2  }
0x8f: {  	_ = 	snop  }
0x90: {  	s2 =	sld [smem:$0x3FD0];
	_ =	sdelay $0x2  }
0x91: {  	s15 =	simm.s32 $0xA;
	s4 =	simm.s32 $0x10  }
0x92: {  	[smem:s4], [sflag:s15] =	dma.local [hbm:s2], $0x1  }
0x93: {  	_ =	swait.eq [sflag:s15], $0x1  }
0x94: {  	[sflag:s15] =	ssyncset.done $0x0  }
0x95: {  	[sflag:s15] =	ssyncadd.s32 $0xFFFFFFFF  }
0x96: {  	s16 =	sld [smem:$0x10];
	(tm) =	ssettm $0x1  }
0x97: {  	s17 =	sld [smem:$0x3FFB];
	_ =	sdelay $0x3  }
0x98: {  	_ =	strace s17  }
0x99: {  	s3 =	sld [smem:$0x3FFC];
	_ =	sdelay $0x3  }
0x9a: {  	_ =	strace s3  }
0x9b: {  	s3 =	sld [smem:$0x3FFD];
	_ =	sdelay $0x3  }
0x9c: {  	_ =	strace s3  }
0x9d: {  	_ =	strace $0x8FFFFFFF  }
0x9e: {  	s18 =	sld [smem:$0x3FDB];
	_ =	sdelay $0x1  }
0x9f: {  	s19 =	simm.s32 $_scs_section_size  }
0xa0: {  	s5 =	simm.s32 $_size__tile_overlayer_lowered;
	s6 =	simm.s32 $_tile_overlayer_lowered  }
0xa1: {  	s22 =	simm.s32 $0x1BFF;
	s21 =	sshll.u32 s6, $0x1;
	s3 =	sadd.s32 s19, s18  }
0xa2: {  	s7 =	simm.s32 $0x0;
	s20 =	sshll.u32 s5, $0x1;
	s5 =	sadd.s32 s21, s3  }
0xa3: {  	[timem:s7], [sflag:s22] =	dma.local [hbm:s5], s20  }
0xa4: {  	_ =	swait.ge [sflag:s22], s20  }
0xa5: {  	s4 =	ssub.s32 $0x0, s20;
	[sflag:s22] =	ssyncset.done $0x0  }
0xa6: {  	[sflag:s22] =	ssyncadd.s32 s4;
	_ =	sdelay $0x1  }
0xa7: {  	s23 =	simm.s32 $0x1B8B  }
0xa8: {  	_ =	swait.ge [sflag:s23], $0x1  }
0xa9: {  	[sflag:s23] =	ssyncset.done $0x0  }
0xaa: {  	s25 =	simm.s32 $0x1B8E;
	s24 =	sld [smem:$0x3FFE];
	[sflag:s23] =	ssyncadd.s32 $0xFFFFFFFF  }
0xab: {  	s26 =	simm.s32 $execute0_lowered;
	[smem:$0x3FD2] =	sst s25  }
0xac: {  	s5 =	sshll.u32 s26, $0x1;
	_ =	strace $0x8000004C;
	[dreg:$0x1] =	wrdreg $0xFFFFFFFF  }
0xad: {  	s28 =	simm.s32 $_size_execute0_lowered;
	s3 =	sadd.s32 s3, s5;
	[dreg:$0x0] =	wrdreg $0x0  }
0xae: {  	s5 =	sshll.u32 s28, $0x1;
	[dreg:$0x2] =	wrdreg s3  }
0xaf: {  	[dreg:$0x3] =	wrdreg s5  }
0xb0: {  	[dreg:$0x4] =	wrdreg $0xC0  }
0xb1: {  	_ =	task [dreg:s7], $0x5FFFF  }
0xb2: {  	[dreg:$0x1] =	wrdreg $0xFFFFFFFF  }
0xb3: {  	[dreg:$0x0] =	wrdreg $0x60  }
0xb4: {  	[dreg:$0x2] =	wrdreg s24  }
0xb5: {  	[dreg:$0x3] =	wrdreg s16  }
0xb6: {  	[dreg:$0x4] =	wrdreg $0x9  }
0xb7: {  	_ =	task.clear_ibuf [dreg:s7], $0x5FFFF;
	_ =	strace $0x9000004C  }
0xb8: {  	s29 =	simm.s32 $0x9;
	_ =	strace $0x8000004E  }
0xb9: {  	_ =	swait.ge [sflag:s29], $0x1  }
0xba: {  	[sflag:s29] =	ssyncadd.s32 $0xFFFFFFFF  }
0xbb: {  	_ =	strace $0x9000004E  }
0xbc: {  	_ =	sfence  }
0xbd: {  	s30 =	sld [smem:$0x0];
	_ =	sdelay $0x2  }
0xbe: {  	s31 =	sshll.u32 s1, $0xD;
	s1 =	sshrl.u32 s1, $0x2  }
0xbf: {  	s3 =	sand.u32 $0x4000, s31;
	s1 =	sadd.s32 s1, s30  }
0xc0: {  	s0 =	sor.u32 s3, s0;
	s1 =	sshll.u32 s1, $0x11  }
0xc1: {  	s0 =	sor.u32 s1, s0  }
0xc2: {  	s0 =	sadd.s32 $0x8F2B, s0  }
0xc3: {  	[sflag:s0] =	ssyncadd.remote.s32 $0x1  }
0xc4: {  	_ =	sfence.sel $0xFFFF  }
0xc5: {  	[dreg:$0x0] =	wrdreg $0xFFFFFFFF;
	(pc) =	sbr.abs _section_cstart, $3  }
0xc6: {  	[dreg:$0x1] =	wrdreg $0xFFFFFFFF  }
0xc7: {  	_ =	task.clear_ibuf [dreg:s7], $0x2FFFF;
	_ =	strace $0x9FFFFFFF  }
0xc8: {  	(tm) =	ssettm $0x7FFFFFFF  }
0xc9: {  	_ =	shalt  }
tec
execute0_lowered:
.L_overlay_start_1:
0x0: {  	(tag) =	ssettag $0x1  }
0x1: {  	s1 =	srdreg.scid  }
0x2: {  	s8 =	rddreg [dreg:$0x0];
	s0 =	stileid.u32  }
0x3: {  	s3 =	rddreg [dreg:$0x1];
	s2 =	simm.s32 $0x0;
	s6 =	sand.u32 $0x1, s1  }
0x4: {  	s4 =	sshll.u32 s0, $0x9;
	s1 =	rddreg [dreg:$0x2];
	s5 =	sshll.u32 s6, $0x8  }
0x5: {  	s7 =	simm.s32 $0x1;
	[smem:$0x7FF] =	sst s2;
	s9 =	sor.u32 s5, s4  }
0x6: {  	_ =	strace $0x8000004D;
	s10 =	ssub.s32 $0x2, s6;
	s4 =	sshrl.u32 s9, $0x3  }
0x7: {  	s6 =	simm.s32 $0x100;
	s4 =	sadd.s32 s3, s4;
	s3 =	simm.s32 $0x2  }
0x8: {  	[tilespmem:s2], [sflag:$0x2] =	stream.linear.gather [hbm4b:s4+s2], $0x100, $0x38;
	[tilespmem:$0x8100] =	vst v63  }
0x9: {  	s5 =	sadd.s32 $0x15D800, s8;
	s11 =	sshrl.u32 s10, $0x1;
	_ =	swait.ge [sflag:s3], $0x100  }
0xa: {  	s9 =	sshll.u32 s9, $0x4;
	s31 =	ssub.s32 s10, s11;
	[sflag:s3] =	ssyncset.done $0x0  }
0xb: {  	s8 =	sadd.s32 s9, s8;
	s9 =	smax.u32 s31, $0x1;
	[sflag:s3] =	ssyncadd.s32 $0xFFFFFF00  }
0xc: {  	[tilespmem:s6], [sflag:$0x1] =	stream.indirect.gather [hbm4b:s5+s6], $0x80, s2, s6, $0xb8;
	[tilespmem:$0x8100] =	vst v63  }
0xd: {  	p0 =	sne.s32 s9, $0x1;
	_ =	swait.ge [sflag:s7], $0x8000  }
.Ltmp0:
0xe: {  	[sflag:s7] =	ssyncset.done $0x0;
	(pc) =	sbr.rel @!p0 .LBB2_2-.Ltmp0, $4  }
0xf: {  	s8 =	sadd.s32 $0x25800, s8;
	[sflag:s7] =	ssyncadd.s32 $0xFFFF8000  }
0x10: {  	[hbm4b:s8+s2] =	stream.linear.scatter [tilespmem:s6], [sflag:$0x2], $0x8000, $0x38;
	[tilespmem:$0x8100] =	vst v63  }
0x11: {  	_ =	swait.ge [sflag:s3], $0x8000  }
0x12: {  	s9 =	sadd.s32 $0xFFFFFFFF, s9;
	[sflag:s3] =	ssyncset.done $0x0  }
.LBB2_1:
0x13: {  	p0 =	sne.s32 s9, $0x1;
	s9 =	sadd.s32 $0xFFFFFFFF, s9;
	[sflag:s3] =	ssyncadd.s32 $0xFFFF8000  }
0x14: {  	[tilespmem:s2], [sflag:$0x2] =	stream.linear.gather [hbm4b:s4+s2], $0x100, $0x38;
	[tilespmem:$0x8100] =	vst v63  }
0x15: {  	_ =	swait.ge [sflag:s3], $0x100  }
0x16: {  	[sflag:s3] =	ssyncset.done $0x0  }
0x17: {  	[sflag:s3] =	ssyncadd.s32 $0xFFFFFF00  }
0x18: {  	[tilespmem:s6], [sflag:$0x1] =	stream.indirect.gather [hbm4b:s5+s6], $0x80, s2, s6, $0xb8;
	[tilespmem:$0x8100] =	vst v63  }
0x19: {  	_ =	swait.ge [sflag:s7], $0x8000  }
.Ltmp1:
0x1a: {  	[sflag:s7] =	ssyncset.done $0x0;
	(pc) =	sbr.rel @p0 .LBB2_1-.Ltmp1, $4  }
0x1b: {  	[sflag:s7] =	ssyncadd.s32 $0xFFFF8000  }
0x1c: {  	[hbm4b:s8+s2] =	stream.linear.scatter [tilespmem:s6], [sflag:$0x2], $0x8000, $0x38;
	[tilespmem:$0x8100] =	vst v63  }
0x1d: {  	_ =	swait.ge [sflag:s3], $0x8000  }
0x1e: {  	[sflag:s3] =	ssyncset.done $0x0  }
.LBB2_2:
0x1f: {  	[sflag:s3] =	ssyncadd.s32 $0xFFFF8000  }
0x20: {  	_ =	sfence.sel $0x180000  }
0x21: {  	[bflag:$0x0] =	sbarrier.arrive $0xFFFF  }
0x22: {  	p0 =	sne.s32 s0, $0x0;
	_ =	strace $0x9000004D  }
0x23: {  	s0 =	sadd.s32 @!p0 $0x100000, s1;
	[bflag:$0x2] =	sbarrier.arrive $0xFFFF  }
0x24: {  	[sflag:s0] =	ssyncadd.tile.s32 @!p0 $0x1;
	_ =	shalt  }
.Lfunc_end2:
_tile_overlayer_lowered:
.L_overlay_start_2:
0x25: {  	(tag) =	ssettag $0x2  }
0x26: {  	s0 =	rddreg [dreg:$0x0];
	s2 =	stileid.u32  }
0x27: {  	s1 =	rddreg [dreg:$0x1];
	p0 =	sne.s32 s2, $0x0  }
0x28: {  	s3 =	rddreg [dreg:$0x2];
	[bflag:$0x3] =	sbarrier.arrive $0xFFFF;
	s2 =	simm.s32 @!p0 $0x1C02  }
0x29: {  	[timem:s3], [sflag:s2] =	dma.local @!p0 [hbm:s0], s1  }
0x2a: {  	s0 =	simm.s32 @!p0 $0x2  }
0x2b: {  	_ =	swait.ge @!p0 [sflag:s0], s1  }
0x2c: {  	s1 =	ssub.s32 @!p0 $0x0, s1;
	[sflag:s0] =	ssyncset.done @!p0 $0x0  }
0x2d: {  	[sflag:s0] =	ssyncadd.s32 @!p0 s1  }
0x2e: {  	[bflag:$0x3] =	sbarrier.arrive $0xFFFF  }
0x2f: {  	_ =	shalt  }

// kernel: kernel.28.cloned.1.call-start
scs
__scs_entry_jumppad:
0x0: {  	(pc) =	sbr.rel $0x88, $3  }
0x1: {  	(tag) =	ssettag $0x0;
	lr =	simm.s32 $0x1  }
0x2: {  	[smem:$0x3F9F] =	sst lr;
	_ =	strace $0xD0000000  }
0x3: {  	_ = 	snop  }
0x4: {  	_ = 	snop  }
0x5: {  	_ = 	snop  }
0x6: {  	_ = 	snop  }
0x7: {  	_ = 	snop  }
__scs_overlays_trampoline_lowered:
0x8: {  	[smem:$0x3FAE] =	sst s0  }
0x9: {  	[smem:$0x3FAF] =	sst s1  }
0xa: {  	[smem:$0x3FB0] =	sst s2  }
0xb: {  	[smem:$0x3FB1] =	sst s3  }
0xc: {  	[smem:$0x3FB2] =	sst s4  }
0xd: {  	[smem:$0x3FB3] =	sst s5  }
0xe: {  	[smem:$0x3FB4] =	sst s6  }
0xf: {  	[smem:$0x3FB5] =	sst s7  }
0x10: {  	[smem:$0x3FB6] =	sst s8  }
0x11: {  	[smem:$0x3FB7] =	sst s9;
	s0 =	simm.s32 @!p0 $0x0  }
0x12: {  	s1 =	sld [smem:$0x3F9D];
	s0 =	simm.s32 @p0 $0x1  }
0x13: {  	[smem:$0x3FB8] =	sst s0;
	s0 =	simm.s32 @!p1 $0x0  }
0x14: {  	s2 =	sld [smem:$0x3F9C];
	s0 =	simm.s32 @p1 $0x1  }
0x15: {  	[smem:$0x3FB9] =	sst s0;
	s0 =	simm.s32 @!p2 $0x0  }
0x16: {  	s3 =	sld [smem:$0x3FDB];
	s0 =	simm.s32 @p2 $0x1  }
0x17: {  	s4 =	simm.s32 $0x1BF5;
	[smem:$0x3FBB] =	sst s0  }
0x18: {  	s0 =	sld [smem:$0x3F9E];
	_ =	swait.ge [sflag:s4], $0x0  }
0x19: {  	s7 =	sld [smem:$0x3F9F]  }
0x1a: {  	s8 =	sadd.s32 $0xFFFFE003, lr  }
0x1b: {  	s9 =	sadd.s32 $0xFFFFFEF7, lr;
	s5 =	simm.s32 $0xFFFFFFFF;
	p2 =	slt.u32 s8, $0xFFFFF086  }
0x1c: {  	p1 =	slt.u32 s9, $0xF7A;
	s5 =	simm.s32 @!p2 $0x0  }
0x1d: {  	s5 =	simm.s32 @p1 $0x1;
	p0 =	seq.s32 s7, s2  }
0x1e: {  	s7 =	smul.u32 @!p0 $0xF7A, s2;
	p2 =	seq.s32 @!p0 s5, $0x0  }
0x1f: {  	s9 =	smul.u32 $0xF7A, s1;
	s8 =	simm.s32 @!p0 $0x1BF5;
	p2 =	por !p2, p0  }
0x20: {  	[sflag:s8] =	ssyncset.s32 @!p0 $0xFFFFF086;
	s6 =	sadd.s32 @!p0 s3, s7;
	s7 =	simm.s32 @!p0 $0x108  }
0x21: {  	s3 =	sadd.s32 s3, s9;
	s6 =	sadd.s32 @!p0 $0x88, s6;
	s7 =	simm.s32 @p2 $0x1082  }
0x22: {  	[simem:s7], [sflag:s8] =	dma.local @!p0 [hbm:s6], $0xF7A  }
0x23: {  	s9 =	sor.u32 $0xD0000000, s2;
	s6 =	simm.s32 $0x108;
	_ =	swait.ge @!p0 [sflag:s8], $0x0  }
0x24: {  	s3 =	sadd.s32 $0x88, s3;
	s6 =	simm.s32 @!p1 $0x1082;
	[sflag:s4] =	ssyncset.s32 $0xFFFFF086  }
0x25: {  	[simem:s6], [sflag:s4] =	dma.local [hbm:s3], $0xF7A  }
0x26: {  	[smem:$0x3F9F] =	sst s1;
	(tag) =	ssettag s2;
	_ =	strace s9  }
0x27: {  	s1 =	sld [smem:$0x3FAF]  }
0x28: {  	s2 =	sld [smem:$0x3FB0]  }
0x29: {  	s4 =	sld [smem:$0x3FB2]  }
0x2a: {  	p0 =	seq.s32 s5, $0x0;
	s5 =	sld [smem:$0x3FB3]  }
0x2b: {  	s6 =	sld [smem:$0x3FB4]  }
0x2c: {  	s7 =	sld [smem:$0x3FB5]  }
0x2d: {  	s3 =	simm.s32 $0x108;
	s8 =	sld [smem:$0x3FB6]  }
0x2e: {  	s3 =	simm.s32 @!p0 $0x1082;
	s9 =	sld [smem:$0x3FB7]  }
0x2f: {  	lr =	sadd.s32 s0, s3;
	s0 =	sld [smem:$0x3FAE]  }
0x30: {  	s3 =	sld [smem:$0x3FB1]  }
0x31: {  	[smem:$0x3FBA] =	sst s10  }
0x32: {  	s10 =	sld [smem:$0x3FB8];
	_ =	sdelay $0x3  }
0x33: {  	p0 =	seq.s32 s10, $0x1;
	s10 =	sld [smem:$0x3FBA];
	_ =	sdelay $0x3  }
0x34: {  	[smem:$0x3FBA] =	sst s10  }
0x35: {  	s10 =	sld [smem:$0x3FB9];
	_ =	sdelay $0x3  }
0x36: {  	p1 =	seq.s32 s10, $0x1;
	s10 =	sld [smem:$0x3FBA];
	_ =	sdelay $0x3  }
0x37: {  	[smem:$0x3FBA] =	sst s10  }
0x38: {  	s10 =	sld [smem:$0x3FBB]  }
0x39: {  	_ = 	snop;
	(pc) =	sbr.ind lr, $3  }
0x3a: {  	_ = 	snop  }
0x3b: {  	_ = 	snop  }
0x3c: {  	p2 =	seq.s32 s10, $0x1;
	s10 =	sld [smem:$0x3FBA]  }
0x3d: {  	_ =	shalt  }
0x3e: {  	_ =	shalt  }
0x3f: {  	_ =	shalt  }
0x40: {  	_ =	shalt  }
0x41: {  	_ =	shalt  }
0x42: {  	_ =	shalt  }
0x43: {  	_ =	shalt  }
0x44: {  	_ =	shalt  }
0x45: {  	_ =	shalt  }
0x46: {  	_ =	shalt  }
0x47: {  	_ =	shalt  }
0x48: {  	_ =	shalt  }
0x49: {  	_ =	shalt  }
0x4a: {  	_ =	shalt  }
0x4b: {  	_ =	shalt  }
0x4c: {  	_ =	shalt  }
0x4d: {  	_ =	shalt  }
0x4e: {  	_ =	shalt  }
0x4f: {  	_ =	shalt  }
0x50: {  	_ =	shalt  }
0x51: {  	_ =	shalt  }
0x52: {  	_ =	shalt  }
0x53: {  	_ =	shalt  }
0x54: {  	_ =	shalt  }
0x55: {  	_ =	shalt  }
0x56: {  	_ =	shalt  }
0x57: {  	_ =	shalt  }
0x58: {  	_ =	shalt  }
0x59: {  	_ =	shalt  }
0x5a: {  	_ =	shalt  }
0x5b: {  	_ =	shalt  }
0x5c: {  	_ =	shalt  }
0x5d: {  	_ =	shalt  }
0x5e: {  	_ =	shalt  }
0x5f: {  	_ =	shalt  }
0x60: {  	_ =	shalt  }
0x61: {  	_ =	shalt  }
0x62: {  	_ =	shalt  }
0x63: {  	_ =	shalt  }
0x64: {  	_ =	shalt  }
0x65: {  	_ =	shalt  }
0x66: {  	_ =	shalt  }
0x67: {  	_ =	shalt  }
0x68: {  	_ =	shalt  }
0x69: {  	_ =	shalt  }
0x6a: {  	_ =	shalt  }
0x6b: {  	_ =	shalt  }
0x6c: {  	_ =	shalt  }
0x6d: {  	_ =	shalt  }
0x6e: {  	_ =	shalt  }
0x6f: {  	_ =	shalt  }
0x70: {  	_ =	shalt  }
0x71: {  	_ =	shalt  }
0x72: {  	_ =	shalt  }
0x73: {  	_ =	shalt  }
0x74: {  	_ =	shalt  }
0x75: {  	_ =	shalt  }
0x76: {  	_ =	shalt  }
0x77: {  	_ =	shalt  }
0x78: {  	_ =	shalt  }
0x79: {  	_ =	shalt  }
0x7a: {  	_ =	shalt  }
0x7b: {  	_ =	shalt  }
0x7c: {  	_ =	shalt  }
0x7d: {  	_ =	shalt  }
0x7e: {  	_ =	shalt  }
0x7f: {  	_ =	shalt  }
0x80: {  	_ =	shalt  }
0x81: {  	_ =	shalt  }
0x82: {  	_ =	shalt  }
0x83: {  	_ =	shalt  }
0x84: {  	_ =	shalt  }
0x85: {  	_ =	shalt  }
0x86: {  	_ =	shalt  }
0x87: {  	_ =	shalt  }
.Lfunc_end0:
.L_simem_size_0:
called_computation.3_lowered:
.L_overlay_start_0:
0x88: {  	s2 =	sld [smem:$0x3FD9]  }
0x89: {  	s3 =	sld [smem:$0x3FFE];
	_ =	sdelay $0x1  }
0x8a: {  	s1 =	srdreg.scid  }
0x8b: {  	s0 =	sand.u32 $0x1, s1  }
0x8c: {  	s14 =	sshll.u32 s0, $0xA;
	s2 =	sadd.s32 s3, s2  }
0x8d: {  	s2 =	sadd.s32 s2, s14  }
0x8e: {  	[smem:$0x3FC6] =	sst s2  }
0x8f: {  	_ = 	snop  }
0x90: {  	s2 =	sld [smem:$0x3FD0];
	_ =	sdelay $0x2  }
0x91: {  	s15 =	simm.s32 $0xA;
	s4 =	simm.s32 $0x10  }
0x92: {  	[smem:s4], [sflag:s15] =	dma.local [hbm:s2], $0x1  }
0x93: {  	_ =	swait.eq [sflag:s15], $0x1  }
0x94: {  	[sflag:s15] =	ssyncset.done $0x0  }
0x95: {  	[sflag:s15] =	ssyncadd.s32 $0xFFFFFFFF  }
0x96: {  	s16 =	sld [smem:$0x10];
	(tm) =	ssettm $0x1  }
0x97: {  	s17 =	sld [smem:$0x3FFB];
	_ =	sdelay $0x3  }
0x98: {  	_ =	strace s17  }
0x99: {  	s3 =	sld [smem:$0x3FFC];
	_ =	sdelay $0x3  }
0x9a: {  	_ =	strace s3  }
0x9b: {  	s3 =	sld [smem:$0x3FFD];
	_ =	sdelay $0x3  }
0x9c: {  	_ =	strace s3  }
0x9d: {  	_ =	strace $0x8FFFFFFF  }
0x9e: {  	s18 =	sld [smem:$0x3FDB];
	_ =	sdelay $0x1  }
0x9f: {  	s19 =	simm.s32 $_scs_section_size  }
0xa0: {  	s5 =	simm.s32 $_size__tile_overlayer_lowered;
	s6 =	simm.s32 $_tile_overlayer_lowered  }
0xa1: {  	s22 =	simm.s32 $0x1BFF;
	s21 =	sshll.u32 s6, $0x1;
	s3 =	sadd.s32 s19, s18  }
0xa2: {  	s7 =	simm.s32 $0x0;
	s20 =	sshll.u32 s5, $0x1;
	s5 =	sadd.s32 s21, s3  }
0xa3: {  	[timem:s7], [sflag:s22] =	dma.local [hbm:s5], s20  }
0xa4: {  	_ =	swait.ge [sflag:s22], s20  }
0xa5: {  	s4 =	ssub.s32 $0x0, s20;
	[sflag:s22] =	ssyncset.done $0x0  }
0xa6: {  	[sflag:s22] =	ssyncadd.s32 s4;
	_ =	sdelay $0x1  }
0xa7: {  	s23 =	simm.s32 $0x1B8B  }
0xa8: {  	_ =	swait.ge [sflag:s23], $0x1  }
0xa9: {  	[sflag:s23] =	ssyncset.done $0x0  }
0xaa: {  	s25 =	simm.s32 $0x1B8E;
	s24 =	sld [smem:$0x3FFE];
	[sflag:s23] =	ssyncadd.s32 $0xFFFFFFFF  }
0xab: {  	s26 =	simm.s32 $execute0_lowered;
	[smem:$0x3FD2] =	sst s25  }
0xac: {  	s5 =	sshll.u32 s26, $0x1;
	_ =	strace $0x8000004F;
	[dreg:$0x1] =	wrdreg $0xFFFFFFFF  }
0xad: {  	s28 =	simm.s32 $_size_execute0_lowered;
	s3 =	sadd.s32 s3, s5;
	[dreg:$0x0] =	wrdreg $0x0  }
0xae: {  	s5 =	sshll.u32 s28, $0x1;
	[dreg:$0x2] =	wrdreg s3  }
0xaf: {  	[dreg:$0x3] =	wrdreg s5  }
0xb0: {  	[dreg:$0x4] =	wrdreg $0xC0  }
0xb1: {  	_ =	task [dreg:s7], $0x5FFFF  }
0xb2: {  	[dreg:$0x1] =	wrdreg $0xFFFFFFFF  }
0xb3: {  	[dreg:$0x0] =	wrdreg $0x60  }
0xb4: {  	[dreg:$0x2] =	wrdreg s24  }
0xb5: {  	[dreg:$0x3] =	wrdreg s16  }
0xb6: {  	[dreg:$0x4] =	wrdreg $0x9  }
0xb7: {  	_ =	task.clear_ibuf [dreg:s7], $0x5FFFF;
	_ =	strace $0x9000004F  }
0xb8: {  	s29 =	simm.s32 $0x9;
	_ =	strace $0x80000051  }
0xb9: {  	_ =	swait.ge [sflag:s29], $0x1  }
0xba: {  	[sflag:s29] =	ssyncadd.s32 $0xFFFFFFFF  }
0xbb: {  	_ =	strace $0x90000051  }
0xbc: {  	_ =	sfence  }
0xbd: {  	s30 =	sld [smem:$0x0];
	_ =	sdelay $0x2  }
0xbe: {  	s31 =	sshll.u32 s1, $0xD;
	s1 =	sshrl.u32 s1, $0x2  }
0xbf: {  	s3 =	sand.u32 $0x4000, s31;
	s1 =	sadd.s32 s1, s30  }
0xc0: {  	s0 =	sor.u32 s3, s0;
	s1 =	sshll.u32 s1, $0x11  }
0xc1: {  	s0 =	sor.u32 s1, s0  }
0xc2: {  	s0 =	sadd.s32 $0x8F2B, s0  }
0xc3: {  	[sflag:s0] =	ssyncadd.remote.s32 $0x1  }
0xc4: {  	_ =	sfence.sel $0xFFFF  }
0xc5: {  	[dreg:$0x0] =	wrdreg $0xFFFFFFFF;
	(pc) =	sbr.abs _section_cstart, $3  }
0xc6: {  	[dreg:$0x1] =	wrdreg $0xFFFFFFFF  }
0xc7: {  	_ =	task.clear_ibuf [dreg:s7], $0x2FFFF;
	_ =	strace $0x9FFFFFFF  }
0xc8: {  	(tm) =	ssettm $0x7FFFFFFF  }
0xc9: {  	_ =	shalt  }
tec
execute0_lowered:
.L_overlay_start_1:
0x0: {  	(tag) =	ssettag $0x1  }
0x1: {  	s1 =	srdreg.scid  }
0x2: {  	s8 =	rddreg [dreg:$0x0];
	s0 =	stileid.u32  }
0x3: {  	s3 =	rddreg [dreg:$0x1];
	s2 =	simm.s32 $0x0;
	s6 =	sand.u32 $0x1, s1  }
0x4: {  	s4 =	sshll.u32 s0, $0x9;
	s1 =	rddreg [dreg:$0x2];
	s5 =	sshll.u32 s6, $0x8  }
0x5: {  	s7 =	simm.s32 $0x1;
	[smem:$0x7FF] =	sst s2;
	s9 =	sor.u32 s5, s4  }
0x6: {  	_ =	strace $0x80000050;
	s10 =	ssub.s32 $0x2, s6;
	s4 =	sshrl.u32 s9, $0x3  }
0x7: {  	s6 =	simm.s32 $0x100;
	s4 =	sadd.s32 s3, s4;
	s3 =	simm.s32 $0x2  }
0x8: {  	[tilespmem:s2], [sflag:$0x2] =	stream.linear.gather [hbm4b:s4+s2], $0x100, $0x38;
	[tilespmem:$0x8100] =	vst v63  }
0x9: {  	s5 =	sadd.s32 $0x17D800, s8;
	s11 =	sshrl.u32 s10, $0x1;
	_ =	swait.ge [sflag:s3], $0x100  }
0xa: {  	s9 =	sshll.u32 s9, $0x4;
	s31 =	ssub.s32 s10, s11;
	[sflag:s3] =	ssyncset.done $0x0  }
0xb: {  	s8 =	sadd.s32 s9, s8;
	s9 =	smax.u32 s31, $0x1;
	[sflag:s3] =	ssyncadd.s32 $0xFFFFFF00  }
0xc: {  	[tilespmem:s6], [sflag:$0x1] =	stream.indirect.gather [hbm4b:s5+s6], $0x80, s2, s6, $0xb8;
	[tilespmem:$0x8100] =	vst v63  }
0xd: {  	p0 =	sne.s32 s9, $0x1;
	_ =	swait.ge [sflag:s7], $0x8000  }
.Ltmp0:
0xe: {  	[sflag:s7] =	ssyncset.done $0x0;
	(pc) =	sbr.rel @!p0 .LBB2_2-.Ltmp0, $4  }
0xf: {  	s8 =	sadd.s32 $0x25800, s8;
	[sflag:s7] =	ssyncadd.s32 $0xFFFF8000  }
0x10: {  	[hbm4b:s8+s2] =	stream.linear.scatter [tilespmem:s6], [sflag:$0x2], $0x8000, $0x38;
	[tilespmem:$0x8100] =	vst v63  }
0x11: {  	_ =	swait.ge [sflag:s3], $0x8000  }
0x12: {  	s9 =	sadd.s32 $0xFFFFFFFF, s9;
	[sflag:s3] =	ssyncset.done $0x0  }
.LBB2_1:
0x13: {  	p0 =	sne.s32 s9, $0x1;
	s9 =	sadd.s32 $0xFFFFFFFF, s9;
	[sflag:s3] =	ssyncadd.s32 $0xFFFF8000  }
0x14: {  	[tilespmem:s2], [sflag:$0x2] =	stream.linear.gather [hbm4b:s4+s2], $0x100, $0x38;
	[tilespmem:$0x8100] =	vst v63  }
0x15: {  	_ =	swait.ge [sflag:s3], $0x100  }
0x16: {  	[sflag:s3] =	ssyncset.done $0x0  }
0x17: {  	[sflag:s3] =	ssyncadd.s32 $0xFFFFFF00  }
0x18: {  	[tilespmem:s6], [sflag:$0x1] =	stream.indirect.gather [hbm4b:s5+s6], $0x80, s2, s6, $0xb8;
	[tilespmem:$0x8100] =	vst v63  }
0x19: {  	_ =	swait.ge [sflag:s7], $0x8000  }
.Ltmp1:
0x1a: {  	[sflag:s7] =	ssyncset.done $0x0;
	(pc) =	sbr.rel @p0 .LBB2_1-.Ltmp1, $4  }
0x1b: {  	[sflag:s7] =	ssyncadd.s32 $0xFFFF8000  }
0x1c: {  	[hbm4b:s8+s2] =	stream.linear.scatter [tilespmem:s6], [sflag:$0x2], $0x8000, $0x38;
	[tilespmem:$0x8100] =	vst v63  }
0x1d: {  	_ =	swait.ge [sflag:s3], $0x8000  }
0x1e: {  	[sflag:s3] =	ssyncset.done $0x0  }
.LBB2_2:
0x1f: {  	[sflag:s3] =	ssyncadd.s32 $0xFFFF8000  }
0x20: {  	_ =	sfence.sel $0x180000  }
0x21: {  	[bflag:$0x0] =	sbarrier.arrive $0xFFFF  }
0x22: {  	p0 =	sne.s32 s0, $0x0;
	_ =	strace $0x90000050  }
0x23: {  	s0 =	sadd.s32 @!p0 $0x100000, s1;
	[bflag:$0x2] =	sbarrier.arrive $0xFFFF  }
0x24: {  	[sflag:s0] =	ssyncadd.tile.s32 @!p0 $0x1;
	_ =	shalt  }
.Lfunc_end2:
_tile_overlayer_lowered:
.L_overlay_start_2:
0x25: {  	(tag) =	ssettag $0x2  }
0x26: {  	s0 =	rddreg [dreg:$0x0];
	s2 =	stileid.u32  }
0x27: {  	s1 =	rddreg [dreg:$0x1];
	p0 =	sne.s32 s2, $0x0  }
0x28: {  	s3 =	rddreg [dreg:$0x2];
	[bflag:$0x3] =	sbarrier.arrive $0xFFFF;
	s2 =	simm.s32 @!p0 $0x1C02  }
0x29: {  	[timem:s3], [sflag:s2] =	dma.local @!p0 [hbm:s0], s1  }
0x2a: {  	s0 =	simm.s32 @!p0 $0x2  }
0x2b: {  	_ =	swait.ge @!p0 [sflag:s0], s1  }
0x2c: {  	s1 =	ssub.s32 @!p0 $0x0, s1;
	[sflag:s0] =	ssyncset.done @!p0 $0x0  }
0x2d: {  	[sflag:s0] =	ssyncadd.s32 @!p0 s1  }
0x2e: {  	[bflag:$0x3] =	sbarrier.arrive $0xFFFF  }
0x2f: {  	_ =	shalt  }

// kernel: kernel.31.cloned.1.call-start
scs
__scs_entry_jumppad:
0x0: {  	(pc) =	sbr.rel $0x88, $3  }
0x1: {  	(tag) =	ssettag $0x0;
	lr =	simm.s32 $0x1  }
0x2: {  	[smem:$0x3F9F] =	sst lr;
	_ =	strace $0xD0000000  }
0x3: {  	_ = 	snop  }
0x4: {  	_ = 	snop  }
0x5: {  	_ = 	snop  }
0x6: {  	_ = 	snop  }
0x7: {  	_ = 	snop  }
__scs_overlays_trampoline_lowered:
0x8: {  	[smem:$0x3FAE] =	sst s0  }
0x9: {  	[smem:$0x3FAF] =	sst s1  }
0xa: {  	[smem:$0x3FB0] =	sst s2  }
0xb: {  	[smem:$0x3FB1] =	sst s3  }
0xc: {  	[smem:$0x3FB2] =	sst s4  }
0xd: {  	[smem:$0x3FB3] =	sst s5  }
0xe: {  	[smem:$0x3FB4] =	sst s6  }
0xf: {  	[smem:$0x3FB5] =	sst s7  }
0x10: {  	[smem:$0x3FB6] =	sst s8  }
0x11: {  	[smem:$0x3FB7] =	sst s9;
	s0 =	simm.s32 @!p0 $0x0  }
0x12: {  	s1 =	sld [smem:$0x3F9D];
	s0 =	simm.s32 @p0 $0x1  }
0x13: {  	[smem:$0x3FB8] =	sst s0;
	s0 =	simm.s32 @!p1 $0x0  }
0x14: {  	s2 =	sld [smem:$0x3F9C];
	s0 =	simm.s32 @p1 $0x1  }
0x15: {  	[smem:$0x3FB9] =	sst s0;
	s0 =	simm.s32 @!p2 $0x0  }
0x16: {  	s3 =	sld [smem:$0x3FDB];
	s0 =	simm.s32 @p2 $0x1  }
0x17: {  	s4 =	simm.s32 $0x1BF5;
	[smem:$0x3FBB] =	sst s0  }
0x18: {  	s0 =	sld [smem:$0x3F9E];
	_ =	swait.ge [sflag:s4], $0x0  }
0x19: {  	s7 =	sld [smem:$0x3F9F]  }
0x1a: {  	s8 =	sadd.s32 $0xFFFFE003, lr  }
0x1b: {  	s9 =	sadd.s32 $0xFFFFFEF7, lr;
	s5 =	simm.s32 $0xFFFFFFFF;
	p2 =	slt.u32 s8, $0xFFFFF086  }
0x1c: {  	p1 =	slt.u32 s9, $0xF7A;
	s5 =	simm.s32 @!p2 $0x0  }
0x1d: {  	s5 =	simm.s32 @p1 $0x1;
	p0 =	seq.s32 s7, s2  }
0x1e: {  	s7 =	smul.u32 @!p0 $0xF7A, s2;
	p2 =	seq.s32 @!p0 s5, $0x0  }
0x1f: {  	s9 =	smul.u32 $0xF7A, s1;
	s8 =	simm.s32 @!p0 $0x1BF5;
	p2 =	por !p2, p0  }
0x20: {  	[sflag:s8] =	ssyncset.s32 @!p0 $0xFFFFF086;
	s6 =	sadd.s32 @!p0 s3, s7;
	s7 =	simm.s32 @!p0 $0x108  }
0x21: {  	s3 =	sadd.s32 s3, s9;
	s6 =	sadd.s32 @!p0 $0x88, s6;
	s7 =	simm.s32 @p2 $0x1082  }
0x22: {  	[simem:s7], [sflag:s8] =	dma.local @!p0 [hbm:s6], $0xF7A  }
0x23: {  	s9 =	sor.u32 $0xD0000000, s2;
	s6 =	simm.s32 $0x108;
	_ =	swait.ge @!p0 [sflag:s8], $0x0  }
0x24: {  	s3 =	sadd.s32 $0x88, s3;
	s6 =	simm.s32 @!p1 $0x1082;
	[sflag:s4] =	ssyncset.s32 $0xFFFFF086  }
0x25: {  	[simem:s6], [sflag:s4] =	dma.local [hbm:s3], $0xF7A  }
0x26: {  	[smem:$0x3F9F] =	sst s1;
	(tag) =	ssettag s2;
	_ =	strace s9  }
0x27: {  	s1 =	sld [smem:$0x3FAF]  }
0x28: {  	s2 =	sld [smem:$0x3FB0]  }
0x29: {  	s4 =	sld [smem:$0x3FB2]  }
0x2a: {  	p0 =	seq.s32 s5, $0x0;
	s5 =	sld [smem:$0x3FB3]  }
0x2b: {  	s6 =	sld [smem:$0x3FB4]  }
0x2c: {  	s7 =	sld [smem:$0x3FB5]  }
0x2d: {  	s3 =	simm.s32 $0x108;
	s8 =	sld [smem:$0x3FB6]  }
0x2e: {  	s3 =	simm.s32 @!p0 $0x1082;
	s9 =	sld [smem:$0x3FB7]  }
0x2f: {  	lr =	sadd.s32 s0, s3;
	s0 =	sld [smem:$0x3FAE]  }
0x30: {  	s3 =	sld [smem:$0x3FB1]  }
0x31: {  	[smem:$0x3FBA] =	sst s10  }
0x32: {  	s10 =	sld [smem:$0x3FB8];
	_ =	sdelay $0x3  }
0x33: {  	p0 =	seq.s32 s10, $0x1;
	s10 =	sld [smem:$0x3FBA];
	_ =	sdelay $0x3  }
0x34: {  	[smem:$0x3FBA] =	sst s10  }
0x35: {  	s10 =	sld [smem:$0x3FB9];
	_ =	sdelay $0x3  }
0x36: {  	p1 =	seq.s32 s10, $0x1;
	s10 =	sld [smem:$0x3FBA];
	_ =	sdelay $0x3  }
0x37: {  	[smem:$0x3FBA] =	sst s10  }
0x38: {  	s10 =	sld [smem:$0x3FBB]  }
0x39: {  	_ = 	snop;
	(pc) =	sbr.ind lr, $3  }
0x3a: {  	_ = 	snop  }
0x3b: {  	_ = 	snop  }
0x3c: {  	p2 =	seq.s32 s10, $0x1;
	s10 =	sld [smem:$0x3FBA]  }
0x3d: {  	_ =	shalt  }
0x3e: {  	_ =	shalt  }
0x3f: {  	_ =	shalt  }
0x40: {  	_ =	shalt  }
0x41: {  	_ =	shalt  }
0x42: {  	_ =	shalt  }
0x43: {  	_ =	shalt  }
0x44: {  	_ =	shalt  }
0x45: {  	_ =	shalt  }
0x46: {  	_ =	shalt  }
0x47: {  	_ =	shalt  }
0x48: {  	_ =	shalt  }
0x49: {  	_ =	shalt  }
0x4a: {  	_ =	shalt  }
0x4b: {  	_ =	shalt  }
0x4c: {  	_ =	shalt  }
0x4d: {  	_ =	shalt  }
0x4e: {  	_ =	shalt  }
0x4f: {  	_ =	shalt  }
0x50: {  	_ =	shalt  }
0x51: {  	_ =	shalt  }
0x52: {  	_ =	shalt  }
0x53: {  	_ =	shalt  }
0x54: {  	_ =	shalt  }
0x55: {  	_ =	shalt  }
0x56: {  	_ =	shalt  }
0x57: {  	_ =	shalt  }
0x58: {  	_ =	shalt  }
0x59: {  	_ =	shalt  }
0x5a: {  	_ =	shalt  }
0x5b: {  	_ =	shalt  }
0x5c: {  	_ =	shalt  }
0x5d: {  	_ =	shalt  }
0x5e: {  	_ =	shalt  }
0x5f: {  	_ =	shalt  }
0x60: {  	_ =	shalt  }
0x61: {  	_ =	shalt  }
0x62: {  	_ =	shalt  }
0x63: {  	_ =	shalt  }
0x64: {  	_ =	shalt  }
0x65: {  	_ =	shalt  }
0x66: {  	_ =	shalt  }
0x67: {  	_ =	shalt  }
0x68: {  	_ =	shalt  }
0x69: {  	_ =	shalt  }
0x6a: {  	_ =	shalt  }
0x6b: {  	_ =	shalt  }
0x6c: {  	_ =	shalt  }
0x6d: {  	_ =	shalt  }
0x6e: {  	_ =	shalt  }
0x6f: {  	_ =	shalt  }
0x70: {  	_ =	shalt  }
0x71: {  	_ =	shalt  }
0x72: {  	_ =	shalt  }
0x73: {  	_ =	shalt  }
0x74: {  	_ =	shalt  }
0x75: {  	_ =	shalt  }
0x76: {  	_ =	shalt  }
0x77: {  	_ =	shalt  }
0x78: {  	_ =	shalt  }
0x79: {  	_ =	shalt  }
0x7a: {  	_ =	shalt  }
0x7b: {  	_ =	shalt  }
0x7c: {  	_ =	shalt  }
0x7d: {  	_ =	shalt  }
0x7e: {  	_ =	shalt  }
0x7f: {  	_ =	shalt  }
0x80: {  	_ =	shalt  }
0x81: {  	_ =	shalt  }
0x82: {  	_ =	shalt  }
0x83: {  	_ =	shalt  }
0x84: {  	_ =	shalt  }
0x85: {  	_ =	shalt  }
0x86: {  	_ =	shalt  }
0x87: {  	_ =	shalt  }
.Lfunc_end0:
.L_simem_size_0:
called_computation.4_lowered:
.L_overlay_start_0:
0x88: {  	s2 =	sld [smem:$0x3FD9]  }
0x89: {  	s3 =	sld [smem:$0x3FFE];
	_ =	sdelay $0x1  }
0x8a: {  	s1 =	srdreg.scid  }
0x8b: {  	s0 =	sand.u32 $0x1, s1  }
0x8c: {  	s14 =	sshll.u32 s0, $0xA;
	s2 =	sadd.s32 s3, s2  }
0x8d: {  	s2 =	sadd.s32 s2, s14  }
0x8e: {  	[smem:$0x3FC6] =	sst s2  }
0x8f: {  	_ = 	snop  }
0x90: {  	s2 =	sld [smem:$0x3FD0];
	_ =	sdelay $0x2  }
0x91: {  	s15 =	simm.s32 $0xA;
	s4 =	simm.s32 $0x10  }
0x92: {  	[smem:s4], [sflag:s15] =	dma.local [hbm:s2], $0x1  }
0x93: {  	_ =	swait.eq [sflag:s15], $0x1  }
0x94: {  	[sflag:s15] =	ssyncset.done $0x0  }
0x95: {  	[sflag:s15] =	ssyncadd.s32 $0xFFFFFFFF  }
0x96: {  	s16 =	sld [smem:$0x10];
	(tm) =	ssettm $0x1  }
0x97: {  	s17 =	sld [smem:$0x3FFB];
	_ =	sdelay $0x3  }
0x98: {  	_ =	strace s17  }
0x99: {  	s3 =	sld [smem:$0x3FFC];
	_ =	sdelay $0x3  }
0x9a: {  	_ =	strace s3  }
0x9b: {  	s3 =	sld [smem:$0x3FFD];
	_ =	sdelay $0x3  }
0x9c: {  	_ =	strace s3  }
0x9d: {  	_ =	strace $0x8FFFFFFF  }
0x9e: {  	s18 =	sld [smem:$0x3FDB];
	_ =	sdelay $0x1  }
0x9f: {  	s19 =	simm.s32 $_scs_section_size  }
0xa0: {  	s5 =	simm.s32 $_size__tile_overlayer_lowered;
	s6 =	simm.s32 $_tile_overlayer_lowered  }
0xa1: {  	s22 =	simm.s32 $0x1BFF;
	s21 =	sshll.u32 s6, $0x1;
	s3 =	sadd.s32 s19, s18  }
0xa2: {  	s7 =	simm.s32 $0x0;
	s20 =	sshll.u32 s5, $0x1;
	s5 =	sadd.s32 s21, s3  }
0xa3: {  	[timem:s7], [sflag:s22] =	dma.local [hbm:s5], s20  }
0xa4: {  	_ =	swait.ge [sflag:s22], s20  }
0xa5: {  	s4 =	ssub.s32 $0x0, s20;
	[sflag:s22] =	ssyncset.done $0x0  }
0xa6: {  	[sflag:s22] =	ssyncadd.s32 s4;
	_ =	sdelay $0x1  }
0xa7: {  	s23 =	simm.s32 $0x1B8B  }
0xa8: {  	_ =	swait.ge [sflag:s23], $0x1  }
0xa9: {  	[sflag:s23] =	ssyncset.done $0x0  }
0xaa: {  	s25 =	simm.s32 $0x1B8E;
	s24 =	sld [smem:$0x3FFE];
	[sflag:s23] =	ssyncadd.s32 $0xFFFFFFFF  }
0xab: {  	s26 =	simm.s32 $execute0_lowered;
	[smem:$0x3FD2] =	sst s25  }
0xac: {  	s5 =	sshll.u32 s26, $0x1;
	_ =	strace $0x80000052;
	[dreg:$0x1] =	wrdreg $0xFFFFFFFF  }
0xad: {  	s28 =	simm.s32 $_size_execute0_lowered;
	s3 =	sadd.s32 s3, s5;
	[dreg:$0x0] =	wrdreg $0x0  }
0xae: {  	s5 =	sshll.u32 s28, $0x1;
	[dreg:$0x2] =	wrdreg s3  }
0xaf: {  	[dreg:$0x3] =	wrdreg s5  }
0xb0: {  	[dreg:$0x4] =	wrdreg $0xC0  }
0xb1: {  	_ =	task [dreg:s7], $0x5FFFF  }
0xb2: {  	[dreg:$0x1] =	wrdreg $0xFFFFFFFF  }
0xb3: {  	[dreg:$0x0] =	wrdreg $0x60  }
0xb4: {  	[dreg:$0x2] =	wrdreg s24  }
0xb5: {  	[dreg:$0x3] =	wrdreg s16  }
0xb6: {  	[dreg:$0x4] =	wrdreg $0x9  }
0xb7: {  	_ =	task.clear_ibuf [dreg:s7], $0x5FFFF;
	_ =	strace $0x90000052  }
0xb8: {  	s29 =	simm.s32 $0x9;
	_ =	strace $0x80000054  }
0xb9: {  	_ =	swait.ge [sflag:s29], $0x1  }
0xba: {  	[sflag:s29] =	ssyncadd.s32 $0xFFFFFFFF  }
0xbb: {  	_ =	strace $0x90000054  }
0xbc: {  	_ =	sfence  }
0xbd: {  	s30 =	sld [smem:$0x0];
	_ =	sdelay $0x2  }
0xbe: {  	s31 =	sshll.u32 s1, $0xD;
	s1 =	sshrl.u32 s1, $0x2  }
0xbf: {  	s3 =	sand.u32 $0x4000, s31;
	s1 =	sadd.s32 s1, s30  }
0xc0: {  	s0 =	sor.u32 s3, s0;
	s1 =	sshll.u32 s1, $0x11  }
0xc1: {  	s0 =	sor.u32 s1, s0  }
0xc2: {  	s0 =	sadd.s32 $0x8F2B, s0  }
0xc3: {  	[sflag:s0] =	ssyncadd.remote.s32 $0x1  }
0xc4: {  	_ =	sfence.sel $0xFFFF  }
0xc5: {  	[dreg:$0x0] =	wrdreg $0xFFFFFFFF;
	(pc) =	sbr.abs _section_cstart, $3  }
0xc6: {  	[dreg:$0x1] =	wrdreg $0xFFFFFFFF  }
0xc7: {  	_ =	task.clear_ibuf [dreg:s7], $0x2FFFF;
	_ =	strace $0x9FFFFFFF  }
0xc8: {  	(tm) =	ssettm $0x7FFFFFFF  }
0xc9: {  	_ =	shalt  }
tec
execute0_lowered:
.L_overlay_start_1:
0x0: {  	(tag) =	ssettag $0x1  }
0x1: {  	s1 =	srdreg.scid  }
0x2: {  	s8 =	rddreg [dreg:$0x0];
	s0 =	stileid.u32  }
0x3: {  	s3 =	rddreg [dreg:$0x1];
	s2 =	simm.s32 $0x0;
	s6 =	sand.u32 $0x1, s1  }
0x4: {  	s4 =	sshll.u32 s0, $0x9;
	s1 =	rddreg [dreg:$0x2];
	s5 =	sshll.u32 s6, $0x8  }
0x5: {  	s7 =	simm.s32 $0x1;
	[smem:$0x7FF] =	sst s2;
	s9 =	sor.u32 s5, s4  }
0x6: {  	_ =	strace $0x80000053;
	s10 =	ssub.s32 $0x2, s6;
	s4 =	sshrl.u32 s9, $0x3  }
0x7: {  	s6 =	simm.s32 $0x100;
	s4 =	sadd.s32 s3, s4;
	s3 =	simm.s32 $0x2  }
0x8: {  	[tilespmem:s2], [sflag:$0x2] =	stream.linear.gather [hbm4b:s4+s2], $0x100, $0x38;
	[tilespmem:$0x8100] =	vst v63  }
0x9: {  	s5 =	sadd.s32 $0x19D800, s8;
	s11 =	sshrl.u32 s10, $0x1;
	_ =	swait.ge [sflag:s3], $0x100  }
0xa: {  	s9 =	sshll.u32 s9, $0x4;
	s31 =	ssub.s32 s10, s11;
	[sflag:s3] =	ssyncset.done $0x0  }
0xb: {  	s8 =	sadd.s32 s9, s8;
	s9 =	smax.u32 s31, $0x1;
	[sflag:s3] =	ssyncadd.s32 $0xFFFFFF00  }
0xc: {  	[tilespmem:s6], [sflag:$0x1] =	stream.indirect.gather [hbm4b:s5+s6], $0x80, s2, s6, $0xb8;
	[tilespmem:$0x8100] =	vst v63  }
0xd: {  	p0 =	sne.s32 s9, $0x1;
	_ =	swait.ge [sflag:s7], $0x8000  }
.Ltmp0:
0xe: {  	[sflag:s7] =	ssyncset.done $0x0;
	(pc) =	sbr.rel @!p0 .LBB2_2-.Ltmp0, $4  }
0xf: {  	s8 =	sadd.s32 $0x25800, s8;
	[sflag:s7] =	ssyncadd.s32 $0xFFFF8000  }
0x10: {  	[hbm4b:s8+s2] =	stream.linear.scatter [tilespmem:s6], [sflag:$0x2], $0x8000, $0x38;
	[tilespmem:$0x8100] =	vst v63  }
0x11: {  	_ =	swait.ge [sflag:s3], $0x8000  }
0x12: {  	s9 =	sadd.s32 $0xFFFFFFFF, s9;
	[sflag:s3] =	ssyncset.done $0x0  }
.LBB2_1:
0x13: {  	p0 =	sne.s32 s9, $0x1;
	s9 =	sadd.s32 $0xFFFFFFFF, s9;
	[sflag:s3] =	ssyncadd.s32 $0xFFFF8000  }
0x14: {  	[tilespmem:s2], [sflag:$0x2] =	stream.linear.gather [hbm4b:s4+s2], $0x100, $0x38;
	[tilespmem:$0x8100] =	vst v63  }
0x15: {  	_ =	swait.ge [sflag:s3], $0x100  }
0x16: {  	[sflag:s3] =	ssyncset.done $0x0  }
0x17: {  	[sflag:s3] =	ssyncadd.s32 $0xFFFFFF00  }
0x18: {  	[tilespmem:s6], [sflag:$0x1] =	stream.indirect.gather [hbm4b:s5+s6], $0x80, s2, s6, $0xb8;
	[tilespmem:$0x8100] =	vst v63  }
0x19: {  	_ =	swait.ge [sflag:s7], $0x8000  }
.Ltmp1:
0x1a: {  	[sflag:s7] =	ssyncset.done $0x0;
	(pc) =	sbr.rel @p0 .LBB2_1-.Ltmp1, $4  }
0x1b: {  	[sflag:s7] =	ssyncadd.s32 $0xFFFF8000  }
0x1c: {  	[hbm4b:s8+s2] =	stream.linear.scatter [tilespmem:s6], [sflag:$0x2], $0x8000, $0x38;
	[tilespmem:$0x8100] =	vst v63  }
0x1d: {  	_ =	swait.ge [sflag:s3], $0x8000  }
0x1e: {  	[sflag:s3] =	ssyncset.done $0x0  }
.LBB2_2:
0x1f: {  	[sflag:s3] =	ssyncadd.s32 $0xFFFF8000  }
0x20: {  	_ =	sfence.sel $0x180000  }
0x21: {  	[bflag:$0x0] =	sbarrier.arrive $0xFFFF  }
0x22: {  	p0 =	sne.s32 s0, $0x0;
	_ =	strace $0x90000053  }
0x23: {  	s0 =	sadd.s32 @!p0 $0x100000, s1;
	[bflag:$0x2] =	sbarrier.arrive $0xFFFF  }
0x24: {  	[sflag:s0] =	ssyncadd.tile.s32 @!p0 $0x1;
	_ =	shalt  }
.Lfunc_end2:
_tile_overlayer_lowered:
.L_overlay_start_2:
0x25: {  	(tag) =	ssettag $0x2  }
0x26: {  	s0 =	rddreg [dreg:$0x0];
	s2 =	stileid.u32  }
0x27: {  	s1 =	rddreg [dreg:$0x1];
	p0 =	sne.s32 s2, $0x0  }
0x28: {  	s3 =	rddreg [dreg:$0x2];
	[bflag:$0x3] =	sbarrier.arrive $0xFFFF;
	s2 =	simm.s32 @!p0 $0x1C02  }
0x29: {  	[timem:s3], [sflag:s2] =	dma.local @!p0 [hbm:s0], s1  }
0x2a: {  	s0 =	simm.s32 @!p0 $0x2  }
0x2b: {  	_ =	swait.ge @!p0 [sflag:s0], s1  }
0x2c: {  	s1 =	ssub.s32 @!p0 $0x0, s1;
	[sflag:s0] =	ssyncset.done @!p0 $0x0  }
0x2d: {  	[sflag:s0] =	ssyncadd.s32 @!p0 s1  }
0x2e: {  	[bflag:$0x3] =	sbarrier.arrive $0xFFFF  }
0x2f: {  	_ =	shalt  }

// kernel: kernel.34.cloned.1.call-start
scs
__scs_entry_jumppad:
0x0: {  	(pc) =	sbr.rel $0x88, $3  }
0x1: {  	(tag) =	ssettag $0x0;
	lr =	simm.s32 $0x1  }
0x2: {  	[smem:$0x3F9F] =	sst lr;
	_ =	strace $0xD0000000  }
0x3: {  	_ = 	snop  }
0x4: {  	_ = 	snop  }
0x5: {  	_ = 	snop  }
0x6: {  	_ = 	snop  }
0x7: {  	_ = 	snop  }
__scs_overlays_trampoline_lowered:
0x8: {  	[smem:$0x3FAE] =	sst s0  }
0x9: {  	[smem:$0x3FAF] =	sst s1  }
0xa: {  	[smem:$0x3FB0] =	sst s2  }
0xb: {  	[smem:$0x3FB1] =	sst s3  }
0xc: {  	[smem:$0x3FB2] =	sst s4  }
0xd: {  	[smem:$0x3FB3] =	sst s5  }
0xe: {  	[smem:$0x3FB4] =	sst s6  }
0xf: {  	[smem:$0x3FB5] =	sst s7  }
0x10: {  	[smem:$0x3FB6] =	sst s8  }
0x11: {  	[smem:$0x3FB7] =	sst s9;
	s0 =	simm.s32 @!p0 $0x0  }
0x12: {  	s1 =	sld [smem:$0x3F9D];
	s0 =	simm.s32 @p0 $0x1  }
0x13: {  	[smem:$0x3FB8] =	sst s0;
	s0 =	simm.s32 @!p1 $0x0  }
0x14: {  	s2 =	sld [smem:$0x3F9C];
	s0 =	simm.s32 @p1 $0x1  }
0x15: {  	[smem:$0x3FB9] =	sst s0;
	s0 =	simm.s32 @!p2 $0x0  }
0x16: {  	s3 =	sld [smem:$0x3FDB];
	s0 =	simm.s32 @p2 $0x1  }
0x17: {  	s4 =	simm.s32 $0x1BF5;
	[smem:$0x3FBB] =	sst s0  }
0x18: {  	s0 =	sld [smem:$0x3F9E];
	_ =	swait.ge [sflag:s4], $0x0  }
0x19: {  	s7 =	sld [smem:$0x3F9F]  }
0x1a: {  	s8 =	sadd.s32 $0xFFFFE003, lr  }
0x1b: {  	s9 =	sadd.s32 $0xFFFFFEF7, lr;
	s5 =	simm.s32 $0xFFFFFFFF;
	p2 =	slt.u32 s8, $0xFFFFF086  }
0x1c: {  	p1 =	slt.u32 s9, $0xF7A;
	s5 =	simm.s32 @!p2 $0x0  }
0x1d: {  	s5 =	simm.s32 @p1 $0x1;
	p0 =	seq.s32 s7, s2  }
0x1e: {  	s7 =	smul.u32 @!p0 $0xF7A, s2;
	p2 =	seq.s32 @!p0 s5, $0x0  }
0x1f: {  	s9 =	smul.u32 $0xF7A, s1;
	s8 =	simm.s32 @!p0 $0x1BF5;
	p2 =	por !p2, p0  }
0x20: {  	[sflag:s8] =	ssyncset.s32 @!p0 $0xFFFFF086;
	s6 =	sadd.s32 @!p0 s3, s7;
	s7 =	simm.s32 @!p0 $0x108  }
0x21: {  	s3 =	sadd.s32 s3, s9;
	s6 =	sadd.s32 @!p0 $0x88, s6;
	s7 =	simm.s32 @p2 $0x1082  }
0x22: {  	[simem:s7], [sflag:s8] =	dma.local @!p0 [hbm:s6], $0xF7A  }
0x23: {  	s9 =	sor.u32 $0xD0000000, s2;
	s6 =	simm.s32 $0x108;
	_ =	swait.ge @!p0 [sflag:s8], $0x0  }
0x24: {  	s3 =	sadd.s32 $0x88, s3;
	s6 =	simm.s32 @!p1 $0x1082;
	[sflag:s4] =	ssyncset.s32 $0xFFFFF086  }
0x25: {  	[simem:s6], [sflag:s4] =	dma.local [hbm:s3], $0xF7A  }
0x26: {  	[smem:$0x3F9F] =	sst s1;
	(tag) =	ssettag s2;
	_ =	strace s9  }
0x27: {  	s1 =	sld [smem:$0x3FAF]  }
0x28: {  	s2 =	sld [smem:$0x3FB0]  }
0x29: {  	s4 =	sld [smem:$0x3FB2]  }
0x2a: {  	p0 =	seq.s32 s5, $0x0;
	s5 =	sld [smem:$0x3FB3]  }
0x2b: {  	s6 =	sld [smem:$0x3FB4]  }
0x2c: {  	s7 =	sld [smem:$0x3FB5]  }
0x2d: {  	s3 =	simm.s32 $0x108;
	s8 =	sld [smem:$0x3FB6]  }
0x2e: {  	s3 =	simm.s32 @!p0 $0x1082;
	s9 =	sld [smem:$0x3FB7]  }
0x2f: {  	lr =	sadd.s32 s0, s3;
	s0 =	sld [smem:$0x3FAE]  }
0x30: {  	s3 =	sld [smem:$0x3FB1]  }
0x31: {  	[smem:$0x3FBA] =	sst s10  }
0x32: {  	s10 =	sld [smem:$0x3FB8];
	_ =	sdelay $0x3  }
0x33: {  	p0 =	seq.s32 s10, $0x1;
	s10 =	sld [smem:$0x3FBA];
	_ =	sdelay $0x3  }
0x34: {  	[smem:$0x3FBA] =	sst s10  }
0x35: {  	s10 =	sld [smem:$0x3FB9];
	_ =	sdelay $0x3  }
0x36: {  	p1 =	seq.s32 s10, $0x1;
	s10 =	sld [smem:$0x3FBA];
	_ =	sdelay $0x3  }
0x37: {  	[smem:$0x3FBA] =	sst s10  }
0x38: {  	s10 =	sld [smem:$0x3FBB]  }
0x39: {  	_ = 	snop;
	(pc) =	sbr.ind lr, $3  }
0x3a: {  	_ = 	snop  }
0x3b: {  	_ = 	snop  }
0x3c: {  	p2 =	seq.s32 s10, $0x1;
	s10 =	sld [smem:$0x3FBA]  }
0x3d: {  	_ =	shalt  }
0x3e: {  	_ =	shalt  }
0x3f: {  	_ =	shalt  }
0x40: {  	_ =	shalt  }
0x41: {  	_ =	shalt  }
0x42: {  	_ =	shalt  }
0x43: {  	_ =	shalt  }
0x44: {  	_ =	shalt  }
0x45: {  	_ =	shalt  }
0x46: {  	_ =	shalt  }
0x47: {  	_ =	shalt  }
0x48: {  	_ =	shalt  }
0x49: {  	_ =	shalt  }
0x4a: {  	_ =	shalt  }
0x4b: {  	_ =	shalt  }
0x4c: {  	_ =	shalt  }
0x4d: {  	_ =	shalt  }
0x4e: {  	_ =	shalt  }
0x4f: {  	_ =	shalt  }
0x50: {  	_ =	shalt  }
0x51: {  	_ =	shalt  }
0x52: {  	_ =	shalt  }
0x53: {  	_ =	shalt  }
0x54: {  	_ =	shalt  }
0x55: {  	_ =	shalt  }
0x56: {  	_ =	shalt  }
0x57: {  	_ =	shalt  }
0x58: {  	_ =	shalt  }
0x59: {  	_ =	shalt  }
0x5a: {  	_ =	shalt  }
0x5b: {  	_ =	shalt  }
0x5c: {  	_ =	shalt  }
0x5d: {  	_ =	shalt  }
0x5e: {  	_ =	shalt  }
0x5f: {  	_ =	shalt  }
0x60: {  	_ =	shalt  }
0x61: {  	_ =	shalt  }
0x62: {  	_ =	shalt  }
0x63: {  	_ =	shalt  }
0x64: {  	_ =	shalt  }
0x65: {  	_ =	shalt  }
0x66: {  	_ =	shalt  }
0x67: {  	_ =	shalt  }
0x68: {  	_ =	shalt  }
0x69: {  	_ =	shalt  }
0x6a: {  	_ =	shalt  }
0x6b: {  	_ =	shalt  }
0x6c: {  	_ =	shalt  }
0x6d: {  	_ =	shalt  }
0x6e: {  	_ =	shalt  }
0x6f: {  	_ =	shalt  }
0x70: {  	_ =	shalt  }
0x71: {  	_ =	shalt  }
0x72: {  	_ =	shalt  }
0x73: {  	_ =	shalt  }
0x74: {  	_ =	shalt  }
0x75: {  	_ =	shalt  }
0x76: {  	_ =	shalt  }
0x77: {  	_ =	shalt  }
0x78: {  	_ =	shalt  }
0x79: {  	_ =	shalt  }
0x7a: {  	_ =	shalt  }
0x7b: {  	_ =	shalt  }
0x7c: {  	_ =	shalt  }
0x7d: {  	_ =	shalt  }
0x7e: {  	_ =	shalt  }
0x7f: {  	_ =	shalt  }
0x80: {  	_ =	shalt  }
0x81: {  	_ =	shalt  }
0x82: {  	_ =	shalt  }
0x83: {  	_ =	shalt  }
0x84: {  	_ =	shalt  }
0x85: {  	_ =	shalt  }
0x86: {  	_ =	shalt  }
0x87: {  	_ =	shalt  }
.Lfunc_end0:
.L_simem_size_0:
called_computation.5_lowered:
.L_overlay_start_0:
0x88: {  	s2 =	sld [smem:$0x3FD9]  }
0x89: {  	s3 =	sld [smem:$0x3FFE];
	_ =	sdelay $0x1  }
0x8a: {  	s1 =	srdreg.scid  }
0x8b: {  	s0 =	sand.u32 $0x1, s1  }
0x8c: {  	s14 =	sshll.u32 s0, $0xA;
	s2 =	sadd.s32 s3, s2  }
0x8d: {  	s2 =	sadd.s32 s2, s14  }
0x8e: {  	[smem:$0x3FC6] =	sst s2  }
0x8f: {  	_ = 	snop  }
0x90: {  	s2 =	sld [smem:$0x3FD0];
	_ =	sdelay $0x2  }
0x91: {  	s15 =	simm.s32 $0xA;
	s4 =	simm.s32 $0x10  }
0x92: {  	[smem:s4], [sflag:s15] =	dma.local [hbm:s2], $0x1  }
0x93: {  	_ =	swait.eq [sflag:s15], $0x1  }
0x94: {  	[sflag:s15] =	ssyncset.done $0x0  }
0x95: {  	[sflag:s15] =	ssyncadd.s32 $0xFFFFFFFF  }
0x96: {  	s16 =	sld [smem:$0x10];
	(tm) =	ssettm $0x1  }
0x97: {  	s17 =	sld [smem:$0x3FFB];
	_ =	sdelay $0x3  }
0x98: {  	_ =	strace s17  }
0x99: {  	s3 =	sld [smem:$0x3FFC];
	_ =	sdelay $0x3  }
0x9a: {  	_ =	strace s3  }
0x9b: {  	s3 =	sld [smem:$0x3FFD];
	_ =	sdelay $0x3  }
0x9c: {  	_ =	strace s3  }
0x9d: {  	_ =	strace $0x8FFFFFFF  }
0x9e: {  	s18 =	sld [smem:$0x3FDB];
	_ =	sdelay $0x1  }
0x9f: {  	s19 =	simm.s32 $_scs_section_size  }
0xa0: {  	s5 =	simm.s32 $_size__tile_overlayer_lowered;
	s6 =	simm.s32 $_tile_overlayer_lowered  }
0xa1: {  	s22 =	simm.s32 $0x1BFF;
	s21 =	sshll.u32 s6, $0x1;
	s3 =	sadd.s32 s19, s18  }
0xa2: {  	s7 =	simm.s32 $0x0;
	s20 =	sshll.u32 s5, $0x1;
	s5 =	sadd.s32 s21, s3  }
0xa3: {  	[timem:s7], [sflag:s22] =	dma.local [hbm:s5], s20  }
0xa4: {  	_ =	swait.ge [sflag:s22], s20  }
0xa5: {  	s4 =	ssub.s32 $0x0, s20;
	[sflag:s22] =	ssyncset.done $0x0  }
0xa6: {  	[sflag:s22] =	ssyncadd.s32 s4;
	_ =	sdelay $0x1  }
0xa7: {  	s23 =	simm.s32 $0x1B8B  }
0xa8: {  	_ =	swait.ge [sflag:s23], $0x1  }
0xa9: {  	[sflag:s23] =	ssyncset.done $0x0  }
0xaa: {  	s25 =	simm.s32 $0x1B8E;
	s24 =	sld [smem:$0x3FFE];
	[sflag:s23] =	ssyncadd.s32 $0xFFFFFFFF  }
0xab: {  	s26 =	simm.s32 $execute0_lowered;
	[smem:$0x3FD2] =	sst s25  }
0xac: {  	s5 =	sshll.u32 s26, $0x1;
	_ =	strace $0x80000055;
	[dreg:$0x1] =	wrdreg $0xFFFFFFFF  }
0xad: {  	s28 =	simm.s32 $_size_execute0_lowered;
	s3 =	sadd.s32 s3, s5;
	[dreg:$0x0] =	wrdreg $0x0  }
0xae: {  	s5 =	sshll.u32 s28, $0x1;
	[dreg:$0x2] =	wrdreg s3  }
0xaf: {  	[dreg:$0x3] =	wrdreg s5  }
0xb0: {  	[dreg:$0x4] =	wrdreg $0xC0  }
0xb1: {  	_ =	task [dreg:s7], $0x5FFFF  }
0xb2: {  	[dreg:$0x1] =	wrdreg $0xFFFFFFFF  }
0xb3: {  	[dreg:$0x0] =	wrdreg $0x60  }
0xb4: {  	[dreg:$0x2] =	wrdreg s24  }
0xb5: {  	[dreg:$0x3] =	wrdreg s16  }
0xb6: {  	[dreg:$0x4] =	wrdreg $0x9  }
0xb7: {  	_ =	task.clear_ibuf [dreg:s7], $0x5FFFF;
	_ =	strace $0x90000055  }
0xb8: {  	s29 =	simm.s32 $0x9;
	_ =	strace $0x80000057  }
0xb9: {  	_ =	swait.ge [sflag:s29], $0x1  }
0xba: {  	[sflag:s29] =	ssyncadd.s32 $0xFFFFFFFF  }
0xbb: {  	_ =	strace $0x90000057  }
0xbc: {  	_ =	sfence  }
0xbd: {  	s30 =	sld [smem:$0x0];
	_ =	sdelay $0x2  }
0xbe: {  	s31 =	sshll.u32 s1, $0xD;
	s1 =	sshrl.u32 s1, $0x2  }
0xbf: {  	s3 =	sand.u32 $0x4000, s31;
	s1 =	sadd.s32 s1, s30  }
0xc0: {  	s0 =	sor.u32 s3, s0;
	s1 =	sshll.u32 s1, $0x11  }
0xc1: {  	s0 =	sor.u32 s1, s0  }
0xc2: {  	s0 =	sadd.s32 $0x8F2B, s0  }
0xc3: {  	[sflag:s0] =	ssyncadd.remote.s32 $0x1  }
0xc4: {  	_ =	sfence.sel $0xFFFF  }
0xc5: {  	[dreg:$0x0] =	wrdreg $0xFFFFFFFF;
	(pc) =	sbr.abs _section_cstart, $3  }
0xc6: {  	[dreg:$0x1] =	wrdreg $0xFFFFFFFF  }
0xc7: {  	_ =	task.clear_ibuf [dreg:s7], $0x2FFFF;
	_ =	strace $0x9FFFFFFF  }
0xc8: {  	(tm) =	ssettm $0x7FFFFFFF  }
0xc9: {  	_ =	shalt  }
tec
execute0_lowered:
.L_overlay_start_1:
0x0: {  	(tag) =	ssettag $0x1  }
0x1: {  	s1 =	srdreg.scid  }
0x2: {  	s8 =	rddreg [dreg:$0x0];
	s0 =	stileid.u32  }
0x3: {  	s3 =	rddreg [dreg:$0x1];
	s2 =	simm.s32 $0x0;
	s6 =	sand.u32 $0x1, s1  }
0x4: {  	s4 =	sshll.u32 s0, $0x9;
	s1 =	rddreg [dreg:$0x2];
	s5 =	sshll.u32 s6, $0x8  }
0x5: {  	s7 =	simm.s32 $0x1;
	[smem:$0x7FF] =	sst s2;
	s9 =	sor.u32 s5, s4  }
0x6: {  	_ =	strace $0x80000056;
	s10 =	ssub.s32 $0x2, s6;
	s4 =	sshrl.u32 s9, $0x3  }
0x7: {  	s6 =	simm.s32 $0x100;
	s4 =	sadd.s32 s3, s4;
	s3 =	simm.s32 $0x2  }
0x8: {  	[tilespmem:s2], [sflag:$0x2] =	stream.linear.gather [hbm4b:s4+s2], $0x100, $0x38;
	[tilespmem:$0x8100] =	vst v63  }
0x9: {  	s5 =	sadd.s32 $0x1BD800, s8;
	s11 =	sshrl.u32 s10, $0x1;
	_ =	swait.ge [sflag:s3], $0x100  }
0xa: {  	s9 =	sshll.u32 s9, $0x4;
	s31 =	ssub.s32 s10, s11;
	[sflag:s3] =	ssyncset.done $0x0  }
0xb: {  	s8 =	sadd.s32 s9, s8;
	s9 =	smax.u32 s31, $0x1;
	[sflag:s3] =	ssyncadd.s32 $0xFFFFFF00  }
0xc: {  	[tilespmem:s6], [sflag:$0x1] =	stream.indirect.gather [hbm4b:s5+s6], $0x80, s2, s6, $0xb8;
	[tilespmem:$0x8100] =	vst v63  }
0xd: {  	p0 =	sne.s32 s9, $0x1;
	_ =	swait.ge [sflag:s7], $0x8000  }
.Ltmp0:
0xe: {  	[sflag:s7] =	ssyncset.done $0x0;
	(pc) =	sbr.rel @!p0 .LBB2_2-.Ltmp0, $4  }
0xf: {  	s8 =	sadd.s32 $0x25800, s8;
	[sflag:s7] =	ssyncadd.s32 $0xFFFF8000  }
0x10: {  	[hbm4b:s8+s2] =	stream.linear.scatter [tilespmem:s6], [sflag:$0x2], $0x8000, $0x38;
	[tilespmem:$0x8100] =	vst v63  }
0x11: {  	_ =	swait.ge [sflag:s3], $0x8000  }
0x12: {  	s9 =	sadd.s32 $0xFFFFFFFF, s9;
	[sflag:s3] =	ssyncset.done $0x0  }
.LBB2_1:
0x13: {  	p0 =	sne.s32 s9, $0x1;
	s9 =	sadd.s32 $0xFFFFFFFF, s9;
	[sflag:s3] =	ssyncadd.s32 $0xFFFF8000  }
0x14: {  	[tilespmem:s2], [sflag:$0x2] =	stream.linear.gather [hbm4b:s4+s2], $0x100, $0x38;
	[tilespmem:$0x8100] =	vst v63  }
0x15: {  	_ =	swait.ge [sflag:s3], $0x100  }
0x16: {  	[sflag:s3] =	ssyncset.done $0x0  }
0x17: {  	[sflag:s3] =	ssyncadd.s32 $0xFFFFFF00  }
0x18: {  	[tilespmem:s6], [sflag:$0x1] =	stream.indirect.gather [hbm4b:s5+s6], $0x80, s2, s6, $0xb8;
	[tilespmem:$0x8100] =	vst v63  }
0x19: {  	_ =	swait.ge [sflag:s7], $0x8000  }
.Ltmp1:
0x1a: {  	[sflag:s7] =	ssyncset.done $0x0;
	(pc) =	sbr.rel @p0 .LBB2_1-.Ltmp1, $4  }
0x1b: {  	[sflag:s7] =	ssyncadd.s32 $0xFFFF8000  }
0x1c: {  	[hbm4b:s8+s2] =	stream.linear.scatter [tilespmem:s6], [sflag:$0x2], $0x8000, $0x38;
	[tilespmem:$0x8100] =	vst v63  }
0x1d: {  	_ =	swait.ge [sflag:s3], $0x8000  }
0x1e: {  	[sflag:s3] =	ssyncset.done $0x0  }
.LBB2_2:
0x1f: {  	[sflag:s3] =	ssyncadd.s32 $0xFFFF8000  }
0x20: {  	_ =	sfence.sel $0x180000  }
0x21: {  	[bflag:$0x0] =	sbarrier.arrive $0xFFFF  }
0x22: {  	p0 =	sne.s32 s0, $0x0;
	_ =	strace $0x90000056  }
0x23: {  	s0 =	sadd.s32 @!p0 $0x100000, s1;
	[bflag:$0x2] =	sbarrier.arrive $0xFFFF  }
0x24: {  	[sflag:s0] =	ssyncadd.tile.s32 @!p0 $0x1;
	_ =	shalt  }
.Lfunc_end2:
_tile_overlayer_lowered:
.L_overlay_start_2:
0x25: {  	(tag) =	ssettag $0x2  }
0x26: {  	s0 =	rddreg [dreg:$0x0];
	s2 =	stileid.u32  }
0x27: {  	s1 =	rddreg [dreg:$0x1];
	p0 =	sne.s32 s2, $0x0  }
0x28: {  	s3 =	rddreg [dreg:$0x2];
	[bflag:$0x3] =	sbarrier.arrive $0xFFFF;
	s2 =	simm.s32 @!p0 $0x1C02  }
0x29: {  	[timem:s3], [sflag:s2] =	dma.local @!p0 [hbm:s0], s1  }
0x2a: {  	s0 =	simm.s32 @!p0 $0x2  }
0x2b: {  	_ =	swait.ge @!p0 [sflag:s0], s1  }
0x2c: {  	s1 =	ssub.s32 @!p0 $0x0, s1;
	[sflag:s0] =	ssyncset.done @!p0 $0x0  }
0x2d: {  	[sflag:s0] =	ssyncadd.s32 @!p0 s1  }
0x2e: {  	[bflag:$0x3] =	sbarrier.arrive $0xFFFF  }
0x2f: {  	_ =	shalt  }

// kernel: kernel.37.cloned.1.call-start
scs
__scs_entry_jumppad:
0x0: {  	(pc) =	sbr.rel $0x88, $3  }
0x1: {  	(tag) =	ssettag $0x0;
	lr =	simm.s32 $0x1  }
0x2: {  	[smem:$0x3F9F] =	sst lr;
	_ =	strace $0xD0000000  }
0x3: {  	_ = 	snop  }
0x4: {  	_ = 	snop  }
0x5: {  	_ = 	snop  }
0x6: {  	_ = 	snop  }
0x7: {  	_ = 	snop  }
__scs_overlays_trampoline_lowered:
0x8: {  	[smem:$0x3FAE] =	sst s0  }
0x9: {  	[smem:$0x3FAF] =	sst s1  }
0xa: {  	[smem:$0x3FB0] =	sst s2  }
0xb: {  	[smem:$0x3FB1] =	sst s3  }
0xc: {  	[smem:$0x3FB2] =	sst s4  }
0xd: {  	[smem:$0x3FB3] =	sst s5  }
0xe: {  	[smem:$0x3FB4] =	sst s6  }
0xf: {  	[smem:$0x3FB5] =	sst s7  }
0x10: {  	[smem:$0x3FB6] =	sst s8  }
0x11: {  	[smem:$0x3FB7] =	sst s9;
	s0 =	simm.s32 @!p0 $0x0  }
0x12: {  	s1 =	sld [smem:$0x3F9D];
	s0 =	simm.s32 @p0 $0x1  }
0x13: {  	[smem:$0x3FB8] =	sst s0;
	s0 =	simm.s32 @!p1 $0x0  }
0x14: {  	s2 =	sld [smem:$0x3F9C];
	s0 =	simm.s32 @p1 $0x1  }
0x15: {  	[smem:$0x3FB9] =	sst s0;
	s0 =	simm.s32 @!p2 $0x0  }
0x16: {  	s3 =	sld [smem:$0x3FDB];
	s0 =	simm.s32 @p2 $0x1  }
0x17: {  	s4 =	simm.s32 $0x1BF5;
	[smem:$0x3FBB] =	sst s0  }
0x18: {  	s0 =	sld [smem:$0x3F9E];
	_ =	swait.ge [sflag:s4], $0x0  }
0x19: {  	s7 =	sld [smem:$0x3F9F]  }
0x1a: {  	s8 =	sadd.s32 $0xFFFFE003, lr  }
0x1b: {  	s9 =	sadd.s32 $0xFFFFFEF7, lr;
	s5 =	simm.s32 $0xFFFFFFFF;
	p2 =	slt.u32 s8, $0xFFFFF086  }
0x1c: {  	p1 =	slt.u32 s9, $0xF7A;
	s5 =	simm.s32 @!p2 $0x0  }
0x1d: {  	s5 =	simm.s32 @p1 $0x1;
	p0 =	seq.s32 s7, s2  }
0x1e: {  	s7 =	smul.u32 @!p0 $0xF7A, s2;
	p2 =	seq.s32 @!p0 s5, $0x0  }
0x1f: {  	s9 =	smul.u32 $0xF7A, s1;
	s8 =	simm.s32 @!p0 $0x1BF5;
	p2 =	por !p2, p0  }
0x20: {  	[sflag:s8] =	ssyncset.s32 @!p0 $0xFFFFF086;
	s6 =	sadd.s32 @!p0 s3, s7;
	s7 =	simm.s32 @!p0 $0x108  }
0x21: {  	s3 =	sadd.s32 s3, s9;
	s6 =	sadd.s32 @!p0 $0x88, s6;
	s7 =	simm.s32 @p2 $0x1082  }
0x22: {  	[simem:s7], [sflag:s8] =	dma.local @!p0 [hbm:s6], $0xF7A  }
0x23: {  	s9 =	sor.u32 $0xD0000000, s2;
	s6 =	simm.s32 $0x108;
	_ =	swait.ge @!p0 [sflag:s8], $0x0  }
0x24: {  	s3 =	sadd.s32 $0x88, s3;
	s6 =	simm.s32 @!p1 $0x1082;
	[sflag:s4] =	ssyncset.s32 $0xFFFFF086  }
0x25: {  	[simem:s6], [sflag:s4] =	dma.local [hbm:s3], $0xF7A  }
0x26: {  	[smem:$0x3F9F] =	sst s1;
	(tag) =	ssettag s2;
	_ =	strace s9  }
0x27: {  	s1 =	sld [smem:$0x3FAF]  }
0x28: {  	s2 =	sld [smem:$0x3FB0]  }
0x29: {  	s4 =	sld [smem:$0x3FB2]  }
0x2a: {  	p0 =	seq.s32 s5, $0x0;
	s5 =	sld [smem:$0x3FB3]  }
0x2b: {  	s6 =	sld [smem:$0x3FB4]  }
0x2c: {  	s7 =	sld [smem:$0x3FB5]  }
0x2d: {  	s3 =	simm.s32 $0x108;
	s8 =	sld [smem:$0x3FB6]  }
0x2e: {  	s3 =	simm.s32 @!p0 $0x1082;
	s9 =	sld [smem:$0x3FB7]  }
0x2f: {  	lr =	sadd.s32 s0, s3;
	s0 =	sld [smem:$0x3FAE]  }
0x30: {  	s3 =	sld [smem:$0x3FB1]  }
0x31: {  	[smem:$0x3FBA] =	sst s10  }
0x32: {  	s10 =	sld [smem:$0x3FB8];
	_ =	sdelay $0x3  }
0x33: {  	p0 =	seq.s32 s10, $0x1;
	s10 =	sld [smem:$0x3FBA];
	_ =	sdelay $0x3  }
0x34: {  	[smem:$0x3FBA] =	sst s10  }
0x35: {  	s10 =	sld [smem:$0x3FB9];
	_ =	sdelay $0x3  }
0x36: {  	p1 =	seq.s32 s10, $0x1;
	s10 =	sld [smem:$0x3FBA];
	_ =	sdelay $0x3  }
0x37: {  	[smem:$0x3FBA] =	sst s10  }
0x38: {  	s10 =	sld [smem:$0x3FBB]  }
0x39: {  	_ = 	snop;
	(pc) =	sbr.ind lr, $3  }
0x3a: {  	_ = 	snop  }
0x3b: {  	_ = 	snop  }
0x3c: {  	p2 =	seq.s32 s10, $0x1;
	s10 =	sld [smem:$0x3FBA]  }
0x3d: {  	_ =	shalt  }
0x3e: {  	_ =	shalt  }
0x3f: {  	_ =	shalt  }
0x40: {  	_ =	shalt  }
0x41: {  	_ =	shalt  }
0x42: {  	_ =	shalt  }
0x43: {  	_ =	shalt  }
0x44: {  	_ =	shalt  }
0x45: {  	_ =	shalt  }
0x46: {  	_ =	shalt  }
0x47: {  	_ =	shalt  }
0x48: {  	_ =	shalt  }
0x49: {  	_ =	shalt  }
0x4a: {  	_ =	shalt  }
0x4b: {  	_ =	shalt  }
0x4c: {  	_ =	shalt  }
0x4d: {  	_ =	shalt  }
0x4e: {  	_ =	shalt  }
0x4f: {  	_ =	shalt  }
0x50: {  	_ =	shalt  }
0x51: {  	_ =	shalt  }
0x52: {  	_ =	shalt  }
0x53: {  	_ =	shalt  }
0x54: {  	_ =	shalt  }
0x55: {  	_ =	shalt  }
0x56: {  	_ =	shalt  }
0x57: {  	_ =	shalt  }
0x58: {  	_ =	shalt  }
0x59: {  	_ =	shalt  }
0x5a: {  	_ =	shalt  }
0x5b: {  	_ =	shalt  }
0x5c: {  	_ =	shalt  }
0x5d: {  	_ =	shalt  }
0x5e: {  	_ =	shalt  }
0x5f: {  	_ =	shalt  }
0x60: {  	_ =	shalt  }
0x61: {  	_ =	shalt  }
0x62: {  	_ =	shalt  }
0x63: {  	_ =	shalt  }
0x64: {  	_ =	shalt  }
0x65: {  	_ =	shalt  }
0x66: {  	_ =	shalt  }
0x67: {  	_ =	shalt  }
0x68: {  	_ =	shalt  }
0x69: {  	_ =	shalt  }
0x6a: {  	_ =	shalt  }
0x6b: {  	_ =	shalt  }
0x6c: {  	_ =	shalt  }
0x6d: {  	_ =	shalt  }
0x6e: {  	_ =	shalt  }
0x6f: {  	_ =	shalt  }
0x70: {  	_ =	shalt  }
0x71: {  	_ =	shalt  }
0x72: {  	_ =	shalt  }
0x73: {  	_ =	shalt  }
0x74: {  	_ =	shalt  }
0x75: {  	_ =	shalt  }
0x76: {  	_ =	shalt  }
0x77: {  	_ =	shalt  }
0x78: {  	_ =	shalt  }
0x79: {  	_ =	shalt  }
0x7a: {  	_ =	shalt  }
0x7b: {  	_ =	shalt  }
0x7c: {  	_ =	shalt  }
0x7d: {  	_ =	shalt  }
0x7e: {  	_ =	shalt  }
0x7f: {  	_ =	shalt  }
0x80: {  	_ =	shalt  }
0x81: {  	_ =	shalt  }
0x82: {  	_ =	shalt  }
0x83: {  	_ =	shalt  }
0x84: {  	_ =	shalt  }
0x85: {  	_ =	shalt  }
0x86: {  	_ =	shalt  }
0x87: {  	_ =	shalt  }
.Lfunc_end0:
.L_simem_size_0:
called_computation.6_lowered:
.L_overlay_start_0:
0x88: {  	s2 =	sld [smem:$0x3FD9]  }
0x89: {  	s3 =	sld [smem:$0x3FFE];
	_ =	sdelay $0x1  }
0x8a: {  	s1 =	srdreg.scid  }
0x8b: {  	s0 =	sand.u32 $0x1, s1  }
0x8c: {  	s14 =	sshll.u32 s0, $0xA;
	s2 =	sadd.s32 s3, s2  }
0x8d: {  	s2 =	sadd.s32 s2, s14  }
0x8e: {  	[smem:$0x3FC6] =	sst s2  }
0x8f: {  	_ = 	snop  }
0x90: {  	s2 =	sld [smem:$0x3FD0];
	_ =	sdelay $0x2  }
0x91: {  	s15 =	simm.s32 $0xA;
	s4 =	simm.s32 $0x10  }
0x92: {  	[smem:s4], [sflag:s15] =	dma.local [hbm:s2], $0x1  }
0x93: {  	_ =	swait.eq [sflag:s15], $0x1  }
0x94: {  	[sflag:s15] =	ssyncset.done $0x0  }
0x95: {  	[sflag:s15] =	ssyncadd.s32 $0xFFFFFFFF  }
0x96: {  	s16 =	sld [smem:$0x10];
	(tm) =	ssettm $0x1  }
0x97: {  	s17 =	sld [smem:$0x3FFB];
	_ =	sdelay $0x3  }
0x98: {  	_ =	strace s17  }
0x99: {  	s3 =	sld [smem:$0x3FFC];
	_ =	sdelay $0x3  }
0x9a: {  	_ =	strace s3  }
0x9b: {  	s3 =	sld [smem:$0x3FFD];
	_ =	sdelay $0x3  }
0x9c: {  	_ =	strace s3  }
0x9d: {  	_ =	strace $0x8FFFFFFF  }
0x9e: {  	s18 =	sld [smem:$0x3FDB];
	_ =	sdelay $0x1  }
0x9f: {  	s19 =	simm.s32 $_scs_section_size  }
0xa0: {  	s5 =	simm.s32 $_size__tile_overlayer_lowered;
	s6 =	simm.s32 $_tile_overlayer_lowered  }
0xa1: {  	s22 =	simm.s32 $0x1BFF;
	s21 =	sshll.u32 s6, $0x1;
	s3 =	sadd.s32 s19, s18  }
0xa2: {  	s7 =	simm.s32 $0x0;
	s20 =	sshll.u32 s5, $0x1;
	s5 =	sadd.s32 s21, s3  }
0xa3: {  	[timem:s7], [sflag:s22] =	dma.local [hbm:s5], s20  }
0xa4: {  	_ =	swait.ge [sflag:s22], s20  }
0xa5: {  	s4 =	ssub.s32 $0x0, s20;
	[sflag:s22] =	ssyncset.done $0x0  }
0xa6: {  	[sflag:s22] =	ssyncadd.s32 s4;
	_ =	sdelay $0x1  }
0xa7: {  	s23 =	simm.s32 $0x1B8B  }
0xa8: {  	_ =	swait.ge [sflag:s23], $0x1  }
0xa9: {  	[sflag:s23] =	ssyncset.done $0x0  }
0xaa: {  	s25 =	simm.s32 $0x1B8E;
	s24 =	sld [smem:$0x3FFE];
	[sflag:s23] =	ssyncadd.s32 $0xFFFFFFFF  }
0xab: {  	s26 =	simm.s32 $execute0_lowered;
	[smem:$0x3FD2] =	sst s25  }
0xac: {  	s5 =	sshll.u32 s26, $0x1;
	_ =	strace $0x80000058;
	[dreg:$0x1] =	wrdreg $0xFFFFFFFF  }
0xad: {  	s28 =	simm.s32 $_size_execute0_lowered;
	s3 =	sadd.s32 s3, s5;
	[dreg:$0x0] =	wrdreg $0x0  }
0xae: {  	s5 =	sshll.u32 s28, $0x1;
	[dreg:$0x2] =	wrdreg s3  }
0xaf: {  	[dreg:$0x3] =	wrdreg s5  }
0xb0: {  	[dreg:$0x4] =	wrdreg $0xC0  }
0xb1: {  	_ =	task [dreg:s7], $0x5FFFF  }
0xb2: {  	[dreg:$0x1] =	wrdreg $0xFFFFFFFF  }
0xb3: {  	[dreg:$0x0] =	wrdreg $0x60  }
0xb4: {  	[dreg:$0x2] =	wrdreg s24  }
0xb5: {  	[dreg:$0x3] =	wrdreg s16  }
0xb6: {  	[dreg:$0x4] =	wrdreg $0x9  }
0xb7: {  	_ =	task.clear_ibuf [dreg:s7], $0x5FFFF;
	_ =	strace $0x90000058  }
0xb8: {  	s29 =	simm.s32 $0x9;
	_ =	strace $0x8000005A  }
0xb9: {  	_ =	swait.ge [sflag:s29], $0x1  }
0xba: {  	[sflag:s29] =	ssyncadd.s32 $0xFFFFFFFF  }
0xbb: {  	_ =	strace $0x9000005A  }
0xbc: {  	_ =	sfence  }
0xbd: {  	s30 =	sld [smem:$0x0];
	_ =	sdelay $0x2  }
0xbe: {  	s31 =	sshll.u32 s1, $0xD;
	s1 =	sshrl.u32 s1, $0x2  }
0xbf: {  	s3 =	sand.u32 $0x4000, s31;
	s1 =	sadd.s32 s1, s30  }
0xc0: {  	s0 =	sor.u32 s3, s0;
	s1 =	sshll.u32 s1, $0x11  }
0xc1: {  	s0 =	sor.u32 s1, s0  }
0xc2: {  	s0 =	sadd.s32 $0x8F2B, s0  }
0xc3: {  	[sflag:s0] =	ssyncadd.remote.s32 $0x1  }
0xc4: {  	_ =	sfence.sel $0xFFFF  }
0xc5: {  	[dreg:$0x0] =	wrdreg $0xFFFFFFFF;
	(pc) =	sbr.abs _section_cstart, $3  }
0xc6: {  	[dreg:$0x1] =	wrdreg $0xFFFFFFFF  }
0xc7: {  	_ =	task.clear_ibuf [dreg:s7], $0x2FFFF;
	_ =	strace $0x9FFFFFFF  }
0xc8: {  	(tm) =	ssettm $0x7FFFFFFF  }
0xc9: {  	_ =	shalt  }
tec
execute0_lowered:
.L_overlay_start_1:
0x0: {  	(tag) =	ssettag $0x1  }
0x1: {  	s1 =	srdreg.scid  }
0x2: {  	s8 =	rddreg [dreg:$0x0];
	s0 =	stileid.u32  }
0x3: {  	s3 =	rddreg [dreg:$0x1];
	s2 =	simm.s32 $0x0;
	s6 =	sand.u32 $0x1, s1  }
0x4: {  	s4 =	sshll.u32 s0, $0x9;
	s1 =	rddreg [dreg:$0x2];
	s5 =	sshll.u32 s6, $0x8  }
0x5: {  	s7 =	simm.s32 $0x1;
	[smem:$0x7FF] =	sst s2;
	s9 =	sor.u32 s5, s4  }
0x6: {  	_ =	strace $0x80000059;
	s10 =	ssub.s32 $0x2, s6;
	s4 =	sshrl.u32 s9, $0x3  }
0x7: {  	s6 =	simm.s32 $0x100;
	s4 =	sadd.s32 s3, s4;
	s3 =	simm.s32 $0x2  }
0x8: {  	[tilespmem:s2], [sflag:$0x2] =	stream.linear.gather [hbm4b:s4+s2], $0x100, $0x38;
	[tilespmem:$0x8100] =	vst v63  }
0x9: {  	s5 =	sadd.s32 $0x1DD800, s8;
	s11 =	sshrl.u32 s10, $0x1;
	_ =	swait.ge [sflag:s3], $0x100  }
0xa: {  	s9 =	sshll.u32 s9, $0x4;
	s31 =	ssub.s32 s10, s11;
	[sflag:s3] =	ssyncset.done $0x0  }
0xb: {  	s8 =	sadd.s32 s9, s8;
	s9 =	smax.u32 s31, $0x1;
	[sflag:s3] =	ssyncadd.s32 $0xFFFFFF00  }
0xc: {  	[tilespmem:s6], [sflag:$0x1] =	stream.indirect.gather [hbm4b:s5+s6], $0x80, s2, s6, $0xb8;
	[tilespmem:$0x8100] =	vst v63  }
0xd: {  	p0 =	sne.s32 s9, $0x1;
	_ =	swait.ge [sflag:s7], $0x8000  }
.Ltmp0:
0xe: {  	[sflag:s7] =	ssyncset.done $0x0;
	(pc) =	sbr.rel @!p0 .LBB2_2-.Ltmp0, $4  }
0xf: {  	s8 =	sadd.s32 $0x25800, s8;
	[sflag:s7] =	ssyncadd.s32 $0xFFFF8000  }
0x10: {  	[hbm4b:s8+s2] =	stream.linear.scatter [tilespmem:s6], [sflag:$0x2], $0x8000, $0x38;
	[tilespmem:$0x8100] =	vst v63  }
0x11: {  	_ =	swait.ge [sflag:s3], $0x8000  }
0x12: {  	s9 =	sadd.s32 $0xFFFFFFFF, s9;
	[sflag:s3] =	ssyncset.done $0x0  }
.LBB2_1:
0x13: {  	p0 =	sne.s32 s9, $0x1;
	s9 =	sadd.s32 $0xFFFFFFFF, s9;
	[sflag:s3] =	ssyncadd.s32 $0xFFFF8000  }
0x14: {  	[tilespmem:s2], [sflag:$0x2] =	stream.linear.gather [hbm4b:s4+s2], $0x100, $0x38;
	[tilespmem:$0x8100] =	vst v63  }
0x15: {  	_ =	swait.ge [sflag:s3], $0x100  }
0x16: {  	[sflag:s3] =	ssyncset.done $0x0  }
0x17: {  	[sflag:s3] =	ssyncadd.s32 $0xFFFFFF00  }
0x18: {  	[tilespmem:s6], [sflag:$0x1] =	stream.indirect.gather [hbm4b:s5+s6], $0x80, s2, s6, $0xb8;
	[tilespmem:$0x8100] =	vst v63  }
0x19: {  	_ =	swait.ge [sflag:s7], $0x8000  }
.Ltmp1:
0x1a: {  	[sflag:s7] =	ssyncset.done $0x0;
	(pc) =	sbr.rel @p0 .LBB2_1-.Ltmp1, $4  }
0x1b: {  	[sflag:s7] =	ssyncadd.s32 $0xFFFF8000  }
0x1c: {  	[hbm4b:s8+s2] =	stream.linear.scatter [tilespmem:s6], [sflag:$0x2], $0x8000, $0x38;
	[tilespmem:$0x8100] =	vst v63  }
0x1d: {  	_ =	swait.ge [sflag:s3], $0x8000  }
0x1e: {  	[sflag:s3] =	ssyncset.done $0x0  }
.LBB2_2:
0x1f: {  	[sflag:s3] =	ssyncadd.s32 $0xFFFF8000  }
0x20: {  	_ =	sfence.sel $0x180000  }
0x21: {  	[bflag:$0x0] =	sbarrier.arrive $0xFFFF  }
0x22: {  	p0 =	sne.s32 s0, $0x0;
	_ =	strace $0x90000059  }
0x23: {  	s0 =	sadd.s32 @!p0 $0x100000, s1;
	[bflag:$0x2] =	sbarrier.arrive $0xFFFF  }
0x24: {  	[sflag:s0] =	ssyncadd.tile.s32 @!p0 $0x1;
	_ =	shalt  }
.Lfunc_end2:
_tile_overlayer_lowered:
.L_overlay_start_2:
0x25: {  	(tag) =	ssettag $0x2  }
0x26: {  	s0 =	rddreg [dreg:$0x0];
	s2 =	stileid.u32  }
0x27: {  	s1 =	rddreg [dreg:$0x1];
	p0 =	sne.s32 s2, $0x0  }
0x28: {  	s3 =	rddreg [dreg:$0x2];
	[bflag:$0x3] =	sbarrier.arrive $0xFFFF;
	s2 =	simm.s32 @!p0 $0x1C02  }
0x29: {  	[timem:s3], [sflag:s2] =	dma.local @!p0 [hbm:s0], s1  }
0x2a: {  	s0 =	simm.s32 @!p0 $0x2  }
0x2b: {  	_ =	swait.ge @!p0 [sflag:s0], s1  }
0x2c: {  	s1 =	ssub.s32 @!p0 $0x0, s1;
	[sflag:s0] =	ssyncset.done @!p0 $0x0  }
0x2d: {  	[sflag:s0] =	ssyncadd.s32 @!p0 s1  }
0x2e: {  	[bflag:$0x3] =	sbarrier.arrive $0xFFFF  }
0x2f: {  	_ =	shalt  }

// kernel: kernel.40.cloned.1.call-start
scs
__scs_entry_jumppad:
0x0: {  	(pc) =	sbr.rel $0x88, $3  }
0x1: {  	(tag) =	ssettag $0x0;
	lr =	simm.s32 $0x1  }
0x2: {  	[smem:$0x3F9F] =	sst lr;
	_ =	strace $0xD0000000  }
0x3: {  	_ = 	snop  }
0x4: {  	_ = 	snop  }
0x5: {  	_ = 	snop  }
0x6: {  	_ = 	snop  }
0x7: {  	_ = 	snop  }
__scs_overlays_trampoline_lowered:
0x8: {  	[smem:$0x3FAE] =	sst s0  }
0x9: {  	[smem:$0x3FAF] =	sst s1  }
0xa: {  	[smem:$0x3FB0] =	sst s2  }
0xb: {  	[smem:$0x3FB1] =	sst s3  }
0xc: {  	[smem:$0x3FB2] =	sst s4  }
0xd: {  	[smem:$0x3FB3] =	sst s5  }
0xe: {  	[smem:$0x3FB4] =	sst s6  }
0xf: {  	[smem:$0x3FB5] =	sst s7  }
0x10: {  	[smem:$0x3FB6] =	sst s8  }
0x11: {  	[smem:$0x3FB7] =	sst s9;
	s0 =	simm.s32 @!p0 $0x0  }
0x12: {  	s1 =	sld [smem:$0x3F9D];
	s0 =	simm.s32 @p0 $0x1  }
0x13: {  	[smem:$0x3FB8] =	sst s0;
	s0 =	simm.s32 @!p1 $0x0  }
0x14: {  	s2 =	sld [smem:$0x3F9C];
	s0 =	simm.s32 @p1 $0x1  }
0x15: {  	[smem:$0x3FB9] =	sst s0;
	s0 =	simm.s32 @!p2 $0x0  }
0x16: {  	s3 =	sld [smem:$0x3FDB];
	s0 =	simm.s32 @p2 $0x1  }
0x17: {  	s4 =	simm.s32 $0x1BF5;
	[smem:$0x3FBB] =	sst s0  }
0x18: {  	s0 =	sld [smem:$0x3F9E];
	_ =	swait.ge [sflag:s4], $0x0  }
0x19: {  	s7 =	sld [smem:$0x3F9F]  }
0x1a: {  	s8 =	sadd.s32 $0xFFFFE003, lr  }
0x1b: {  	s9 =	sadd.s32 $0xFFFFFEF7, lr;
	s5 =	simm.s32 $0xFFFFFFFF;
	p2 =	slt.u32 s8, $0xFFFFF086  }
0x1c: {  	p1 =	slt.u32 s9, $0xF7A;
	s5 =	simm.s32 @!p2 $0x0  }
0x1d: {  	s5 =	simm.s32 @p1 $0x1;
	p0 =	seq.s32 s7, s2  }
0x1e: {  	s7 =	smul.u32 @!p0 $0xF7A, s2;
	p2 =	seq.s32 @!p0 s5, $0x0  }
0x1f: {  	s9 =	smul.u32 $0xF7A, s1;
	s8 =	simm.s32 @!p0 $0x1BF5;
	p2 =	por !p2, p0  }
0x20: {  	[sflag:s8] =	ssyncset.s32 @!p0 $0xFFFFF086;
	s6 =	sadd.s32 @!p0 s3, s7;
	s7 =	simm.s32 @!p0 $0x108  }
0x21: {  	s3 =	sadd.s32 s3, s9;
	s6 =	sadd.s32 @!p0 $0x88, s6;
	s7 =	simm.s32 @p2 $0x1082  }
0x22: {  	[simem:s7], [sflag:s8] =	dma.local @!p0 [hbm:s6], $0xF7A  }
0x23: {  	s9 =	sor.u32 $0xD0000000, s2;
	s6 =	simm.s32 $0x108;
	_ =	swait.ge @!p0 [sflag:s8], $0x0  }
0x24: {  	s3 =	sadd.s32 $0x88, s3;
	s6 =	simm.s32 @!p1 $0x1082;
	[sflag:s4] =	ssyncset.s32 $0xFFFFF086  }
0x25: {  	[simem:s6], [sflag:s4] =	dma.local [hbm:s3], $0xF7A  }
0x26: {  	[smem:$0x3F9F] =	sst s1;
	(tag) =	ssettag s2;
	_ =	strace s9  }
0x27: {  	s1 =	sld [smem:$0x3FAF]  }
0x28: {  	s2 =	sld [smem:$0x3FB0]  }
0x29: {  	s4 =	sld [smem:$0x3FB2]  }
0x2a: {  	p0 =	seq.s32 s5, $0x0;
	s5 =	sld [smem:$0x3FB3]  }
0x2b: {  	s6 =	sld [smem:$0x3FB4]  }
0x2c: {  	s7 =	sld [smem:$0x3FB5]  }
0x2d: {  	s3 =	simm.s32 $0x108;
	s8 =	sld [smem:$0x3FB6]  }
0x2e: {  	s3 =	simm.s32 @!p0 $0x1082;
	s9 =	sld [smem:$0x3FB7]  }
0x2f: {  	lr =	sadd.s32 s0, s3;
	s0 =	sld [smem:$0x3FAE]  }
0x30: {  	s3 =	sld [smem:$0x3FB1]  }
0x31: {  	[smem:$0x3FBA] =	sst s10  }
0x32: {  	s10 =	sld [smem:$0x3FB8];
	_ =	sdelay $0x3  }
0x33: {  	p0 =	seq.s32 s10, $0x1;
	s10 =	sld [smem:$0x3FBA];
	_ =	sdelay $0x3  }
0x34: {  	[smem:$0x3FBA] =	sst s10  }
0x35: {  	s10 =	sld [smem:$0x3FB9];
	_ =	sdelay $0x3  }
0x36: {  	p1 =	seq.s32 s10, $0x1;
	s10 =	sld [smem:$0x3FBA];
	_ =	sdelay $0x3  }
0x37: {  	[smem:$0x3FBA] =	sst s10  }
0x38: {  	s10 =	sld [smem:$0x3FBB]  }
0x39: {  	_ = 	snop;
	(pc) =	sbr.ind lr, $3  }
0x3a: {  	_ = 	snop  }
0x3b: {  	_ = 	snop  }
0x3c: {  	p2 =	seq.s32 s10, $0x1;
	s10 =	sld [smem:$0x3FBA]  }
0x3d: {  	_ =	shalt  }
0x3e: {  	_ =	shalt  }
0x3f: {  	_ =	shalt  }
0x40: {  	_ =	shalt  }
0x41: {  	_ =	shalt  }
0x42: {  	_ =	shalt  }
0x43: {  	_ =	shalt  }
0x44: {  	_ =	shalt  }
0x45: {  	_ =	shalt  }
0x46: {  	_ =	shalt  }
0x47: {  	_ =	shalt  }
0x48: {  	_ =	shalt  }
0x49: {  	_ =	shalt  }
0x4a: {  	_ =	shalt  }
0x4b: {  	_ =	shalt  }
0x4c: {  	_ =	shalt  }
0x4d: {  	_ =	shalt  }
0x4e: {  	_ =	shalt  }
0x4f: {  	_ =	shalt  }
0x50: {  	_ =	shalt  }
0x51: {  	_ =	shalt  }
0x52: {  	_ =	shalt  }
0x53: {  	_ =	shalt  }
0x54: {  	_ =	shalt  }
0x55: {  	_ =	shalt  }
0x56: {  	_ =	shalt  }
0x57: {  	_ =	shalt  }
0x58: {  	_ =	shalt  }
0x59: {  	_ =	shalt  }
0x5a: {  	_ =	shalt  }
0x5b: {  	_ =	shalt  }
0x5c: {  	_ =	shalt  }
0x5d: {  	_ =	shalt  }
0x5e: {  	_ =	shalt  }
0x5f: {  	_ =	shalt  }
0x60: {  	_ =	shalt  }
0x61: {  	_ =	shalt  }
0x62: {  	_ =	shalt  }
0x63: {  	_ =	shalt  }
0x64: {  	_ =	shalt  }
0x65: {  	_ =	shalt  }
0x66: {  	_ =	shalt  }
0x67: {  	_ =	shalt  }
0x68: {  	_ =	shalt  }
0x69: {  	_ =	shalt  }
0x6a: {  	_ =	shalt  }
0x6b: {  	_ =	shalt  }
0x6c: {  	_ =	shalt  }
0x6d: {  	_ =	shalt  }
0x6e: {  	_ =	shalt  }
0x6f: {  	_ =	shalt  }
0x70: {  	_ =	shalt  }
0x71: {  	_ =	shalt  }
0x72: {  	_ =	shalt  }
0x73: {  	_ =	shalt  }
0x74: {  	_ =	shalt  }
0x75: {  	_ =	shalt  }
0x76: {  	_ =	shalt  }
0x77: {  	_ =	shalt  }
0x78: {  	_ =	shalt  }
0x79: {  	_ =	shalt  }
0x7a: {  	_ =	shalt  }
0x7b: {  	_ =	shalt  }
0x7c: {  	_ =	shalt  }
0x7d: {  	_ =	shalt  }
0x7e: {  	_ =	shalt  }
0x7f: {  	_ =	shalt  }
0x80: {  	_ =	shalt  }
0x81: {  	_ =	shalt  }
0x82: {  	_ =	shalt  }
0x83: {  	_ =	shalt  }
0x84: {  	_ =	shalt  }
0x85: {  	_ =	shalt  }
0x86: {  	_ =	shalt  }
0x87: {  	_ =	shalt  }
.Lfunc_end0:
.L_simem_size_0:
called_computation.7_lowered:
.L_overlay_start_0:
0x88: {  	s2 =	sld [smem:$0x3FD9]  }
0x89: {  	s3 =	sld [smem:$0x3FFE];
	_ =	sdelay $0x1  }
0x8a: {  	s1 =	srdreg.scid  }
0x8b: {  	s0 =	sand.u32 $0x1, s1  }
0x8c: {  	s14 =	sshll.u32 s0, $0xA;
	s2 =	sadd.s32 s3, s2  }
0x8d: {  	s2 =	sadd.s32 s2, s14  }
0x8e: {  	[smem:$0x3FC6] =	sst s2  }
0x8f: {  	_ = 	snop  }
0x90: {  	s2 =	sld [smem:$0x3FD0];
	_ =	sdelay $0x2  }
0x91: {  	s15 =	simm.s32 $0xA;
	s4 =	simm.s32 $0x10  }
0x92: {  	[smem:s4], [sflag:s15] =	dma.local [hbm:s2], $0x1  }
0x93: {  	_ =	swait.eq [sflag:s15], $0x1  }
0x94: {  	[sflag:s15] =	ssyncset.done $0x0  }
0x95: {  	[sflag:s15] =	ssyncadd.s32 $0xFFFFFFFF  }
0x96: {  	s16 =	sld [smem:$0x11];
	(tm) =	ssettm $0x1  }
0x97: {  	s17 =	sld [smem:$0x3FFB];
	_ =	sdelay $0x3  }
0x98: {  	_ =	strace s17  }
0x99: {  	s3 =	sld [smem:$0x3FFC];
	_ =	sdelay $0x3  }
0x9a: {  	_ =	strace s3  }
0x9b: {  	s3 =	sld [smem:$0x3FFD];
	_ =	sdelay $0x3  }
0x9c: {  	_ =	strace s3  }
0x9d: {  	_ =	strace $0x8FFFFFFF  }
0x9e: {  	s18 =	sld [smem:$0x3FDB];
	_ =	sdelay $0x1  }
0x9f: {  	s19 =	simm.s32 $_scs_section_size  }
0xa0: {  	s5 =	simm.s32 $_size__tile_overlayer_lowered;
	s6 =	simm.s32 $_tile_overlayer_lowered  }
0xa1: {  	s22 =	simm.s32 $0x1BFF;
	s21 =	sshll.u32 s6, $0x1;
	s3 =	sadd.s32 s19, s18  }
0xa2: {  	s7 =	simm.s32 $0x0;
	s20 =	sshll.u32 s5, $0x1;
	s5 =	sadd.s32 s21, s3  }
0xa3: {  	[timem:s7], [sflag:s22] =	dma.local [hbm:s5], s20  }
0xa4: {  	_ =	swait.ge [sflag:s22], s20  }
0xa5: {  	s4 =	ssub.s32 $0x0, s20;
	[sflag:s22] =	ssyncset.done $0x0  }
0xa6: {  	[sflag:s22] =	ssyncadd.s32 s4;
	_ =	sdelay $0x1  }
0xa7: {  	s23 =	simm.s32 $0x1B8B  }
0xa8: {  	_ =	swait.ge [sflag:s23], $0x1  }
0xa9: {  	[sflag:s23] =	ssyncset.done $0x0  }
0xaa: {  	s25 =	simm.s32 $0x1B8E;
	s24 =	sld [smem:$0x3FFE];
	[sflag:s23] =	ssyncadd.s32 $0xFFFFFFFF  }
0xab: {  	s26 =	simm.s32 $execute0_lowered;
	[smem:$0x3FD2] =	sst s25  }
0xac: {  	s5 =	sshll.u32 s26, $0x1;
	_ =	strace $0x8000005B;
	[dreg:$0x1] =	wrdreg $0xFFFFFFFF  }
0xad: {  	s28 =	simm.s32 $_size_execute0_lowered;
	s3 =	sadd.s32 s3, s5;
	[dreg:$0x0] =	wrdreg $0x0  }
0xae: {  	s5 =	sshll.u32 s28, $0x1;
	[dreg:$0x2] =	wrdreg s3  }
0xaf: {  	[dreg:$0x3] =	wrdreg s5  }
0xb0: {  	[dreg:$0x4] =	wrdreg $0xC0  }
0xb1: {  	_ =	task [dreg:s7], $0x5FFFF  }
0xb2: {  	[dreg:$0x1] =	wrdreg $0xFFFFFFFF  }
0xb3: {  	[dreg:$0x0] =	wrdreg $0x60  }
0xb4: {  	[dreg:$0x2] =	wrdreg s24  }
0xb5: {  	[dreg:$0x3] =	wrdreg s16  }
0xb6: {  	[dreg:$0x4] =	wrdreg $0x9  }
0xb7: {  	_ =	task.clear_ibuf [dreg:s7], $0x5FFFF;
	_ =	strace $0x9000005B  }
0xb8: {  	s29 =	simm.s32 $0x9;
	_ =	strace $0x8000005D  }
0xb9: {  	_ =	swait.ge [sflag:s29], $0x1  }
0xba: {  	[sflag:s29] =	ssyncadd.s32 $0xFFFFFFFF  }
0xbb: {  	_ =	strace $0x9000005D  }
0xbc: {  	_ =	sfence  }
0xbd: {  	s30 =	sld [smem:$0x0];
	_ =	sdelay $0x2  }
0xbe: {  	s31 =	sshll.u32 s1, $0xD;
	s1 =	sshrl.u32 s1, $0x2  }
0xbf: {  	s3 =	sand.u32 $0x4000, s31;
	s1 =	sadd.s32 s1, s30  }
0xc0: {  	s0 =	sor.u32 s3, s0;
	s1 =	sshll.u32 s1, $0x11  }
0xc1: {  	s0 =	sor.u32 s1, s0  }
0xc2: {  	s0 =	sadd.s32 $0x8F2B, s0  }
0xc3: {  	[sflag:s0] =	ssyncadd.remote.s32 $0x1  }
0xc4: {  	_ =	sfence.sel $0xFFFF  }
0xc5: {  	[dreg:$0x0] =	wrdreg $0xFFFFFFFF;
	(pc) =	sbr.abs _section_cstart, $3  }
0xc6: {  	[dreg:$0x1] =	wrdreg $0xFFFFFFFF  }
0xc7: {  	_ =	task.clear_ibuf [dreg:s7], $0x2FFFF;
	_ =	strace $0x9FFFFFFF  }
0xc8: {  	(tm) =	ssettm $0x7FFFFFFF  }
0xc9: {  	_ =	shalt  }
tec
execute0_lowered:
.L_overlay_start_1:
0x0: {  	(tag) =	ssettag $0x1  }
0x1: {  	s1 =	srdreg.scid  }
0x2: {  	s8 =	rddreg [dreg:$0x0];
	s0 =	stileid.u32  }
0x3: {  	s3 =	rddreg [dreg:$0x1];
	s2 =	simm.s32 $0x0;
	s6 =	sand.u32 $0x1, s1  }
0x4: {  	s4 =	sshll.u32 s0, $0x9;
	s1 =	rddreg [dreg:$0x2];
	s5 =	sshll.u32 s6, $0x8  }
0x5: {  	s7 =	simm.s32 $0x1;
	[smem:$0x7FF] =	sst s2;
	s9 =	sor.u32 s5, s4  }
0x6: {  	_ =	strace $0x8000005C;
	s10 =	ssub.s32 $0x2, s6;
	s4 =	sshrl.u32 s9, $0x3  }
0x7: {  	s6 =	simm.s32 $0x100;
	s4 =	sadd.s32 s3, s4;
	s3 =	simm.s32 $0x2  }
0x8: {  	[tilespmem:s2], [sflag:$0x2] =	stream.linear.gather [hbm4b:s4+s2], $0x100, $0x38;
	[tilespmem:$0x8100] =	vst v63  }
0x9: {  	s5 =	sadd.s32 $0x1FD800, s8;
	s11 =	sshrl.u32 s10, $0x1;
	_ =	swait.ge [sflag:s3], $0x100  }
0xa: {  	s9 =	sshll.u32 s9, $0x4;
	s31 =	ssub.s32 s10, s11;
	[sflag:s3] =	ssyncset.done $0x0  }
0xb: {  	s8 =	sadd.s32 s9, s8;
	s9 =	smax.u32 s31, $0x1;
	[sflag:s3] =	ssyncadd.s32 $0xFFFFFF00  }
0xc: {  	[tilespmem:s6], [sflag:$0x1] =	stream.indirect.gather [hbm4b:s5+s6], $0x80, s2, s6, $0xb8;
	[tilespmem:$0x8100] =	vst v63  }
0xd: {  	p0 =	sne.s32 s9, $0x1;
	_ =	swait.ge [sflag:s7], $0x8000  }
.Ltmp0:
0xe: {  	[sflag:s7] =	ssyncset.done $0x0;
	(pc) =	sbr.rel @!p0 .LBB2_2-.Ltmp0, $4  }
0xf: {  	s8 =	sadd.s32 $0x1DD800, s8;
	[sflag:s7] =	ssyncadd.s32 $0xFFFF8000  }
0x10: {  	[hbm4b:s8+s2] =	stream.linear.scatter [tilespmem:s6], [sflag:$0x2], $0x8000, $0x38;
	[tilespmem:$0x8100] =	vst v63  }
0x11: {  	_ =	swait.ge [sflag:s3], $0x8000  }
0x12: {  	s9 =	sadd.s32 $0xFFFFFFFF, s9;
	[sflag:s3] =	ssyncset.done $0x0  }
.LBB2_1:
0x13: {  	p0 =	sne.s32 s9, $0x1;
	s9 =	sadd.s32 $0xFFFFFFFF, s9;
	[sflag:s3] =	ssyncadd.s32 $0xFFFF8000  }
0x14: {  	[tilespmem:s2], [sflag:$0x2] =	stream.linear.gather [hbm4b:s4+s2], $0x100, $0x38;
	[tilespmem:$0x8100] =	vst v63  }
0x15: {  	_ =	swait.ge [sflag:s3], $0x100  }
0x16: {  	[sflag:s3] =	ssyncset.done $0x0  }
0x17: {  	[sflag:s3] =	ssyncadd.s32 $0xFFFFFF00  }
0x18: {  	[tilespmem:s6], [sflag:$0x1] =	stream.indirect.gather [hbm4b:s5+s6], $0x80, s2, s6, $0xb8;
	[tilespmem:$0x8100] =	vst v63  }
0x19: {  	_ =	swait.ge [sflag:s7], $0x8000  }
.Ltmp1:
0x1a: {  	[sflag:s7] =	ssyncset.done $0x0;
	(pc) =	sbr.rel @p0 .LBB2_1-.Ltmp1, $4  }
0x1b: {  	[sflag:s7] =	ssyncadd.s32 $0xFFFF8000  }
0x1c: {  	[hbm4b:s8+s2] =	stream.linear.scatter [tilespmem:s6], [sflag:$0x2], $0x8000, $0x38;
	[tilespmem:$0x8100] =	vst v63  }
0x1d: {  	_ =	swait.ge [sflag:s3], $0x8000  }
0x1e: {  	[sflag:s3] =	ssyncset.done $0x0  }
.LBB2_2:
0x1f: {  	[sflag:s3] =	ssyncadd.s32 $0xFFFF8000  }
0x20: {  	_ =	sfence.sel $0x180000  }
0x21: {  	[bflag:$0x0] =	sbarrier.arrive $0xFFFF  }
0x22: {  	p0 =	sne.s32 s0, $0x0;
	_ =	strace $0x9000005C  }
0x23: {  	s0 =	sadd.s32 @!p0 $0x100000, s1;
	[bflag:$0x2] =	sbarrier.arrive $0xFFFF  }
0x24: {  	[sflag:s0] =	ssyncadd.tile.s32 @!p0 $0x1;
	_ =	shalt  }
.Lfunc_end2:
_tile_overlayer_lowered:
.L_overlay_start_2:
0x25: {  	(tag) =	ssettag $0x2  }
0x26: {  	s0 =	rddreg [dreg:$0x0];
	s2 =	stileid.u32  }
0x27: {  	s1 =	rddreg [dreg:$0x1];
	p0 =	sne.s32 s2, $0x0  }
0x28: {  	s3 =	rddreg [dreg:$0x2];
	[bflag:$0x3] =	sbarrier.arrive $0xFFFF;
	s2 =	simm.s32 @!p0 $0x1C02  }
0x29: {  	[timem:s3], [sflag:s2] =	dma.local @!p0 [hbm:s0], s1  }
0x2a: {  	s0 =	simm.s32 @!p0 $0x2  }
0x2b: {  	_ =	swait.ge @!p0 [sflag:s0], s1  }
0x2c: {  	s1 =	ssub.s32 @!p0 $0x0, s1;
	[sflag:s0] =	ssyncset.done @!p0 $0x0  }
0x2d: {  	[sflag:s0] =	ssyncadd.s32 @!p0 s1  }
0x2e: {  	[bflag:$0x3] =	sbarrier.arrive $0xFFFF  }
0x2f: {  	_ =	shalt  }

</sc_bundles>
